<compile_context>
chip_gen: v7x
topology: tpu7x:2x2x1
jax: 0.10.2.dev20260603
libtpu: 0.0.44.dev20260713+nightly
codegen_flags: <defaults>
</compile_context>

<pallas_src>
import functools

import jax
import jax.numpy as jnp
from jax import lax
from jax.experimental import pallas as pl
from jax.experimental.pallas import tpu as pltpu
from jax.experimental.pallas import tpu_sc as plsc

N = 10000
E = 160000
D = 256
DE = 16
H = 512

NC = 2
NS = 16
NW = NC * NS

_MESH = lambda: plsc.VectorSubcoreMesh(
    core_axis_name="c", subcore_axis_name="s", num_cores=NC, num_subcores=NS)

EPW = E // NW
GB = 200


DP = D // 2


RING = 4
NCH = EPW // GB


def _sc_gather(nodes_u, senders, receivers):

  @functools.partial(
      pl.kernel,
      out_type=(jax.ShapeDtypeStruct((E, DP), jnp.uint32),
                jax.ShapeDtypeStruct((E, DP), jnp.uint32)),
      mesh=_MESH(),
      scratch_types=[
          pltpu.VMEM((EPW,), jnp.int32),
          pltpu.VMEM((EPW,), jnp.int32),
          pltpu.VMEM((RING, GB, DP), jnp.uint32),
          pltpu.SemaphoreType.DMA((RING,)),
          pltpu.SemaphoreType.DMA((RING,)),
      ],
  )
  def k(nodes_hbm, snd_hbm, rcv_hbm, gs_hbm, gr_hbm, idx_s, idx_r, buf,
        gsem, wsem):
    wid = lax.axis_index("s") * NC + lax.axis_index("c")
    base = wid * EPW
    pltpu.sync_copy(snd_hbm.at[pl.ds(base, EPW)], idx_s)
    pltpu.sync_copy(rcv_hbm.at[pl.ds(base, EPW)], idx_r)

    def run(idx_v, out_hbm):
      def g_desc(i):
        par = lax.rem(i, RING)
        return pltpu.make_async_copy(
            nodes_hbm.at[idx_v.at[pl.ds(i * GB, GB)]], buf.at[par],
            gsem.at[par])

      def w_desc(i):
        par = lax.rem(i, RING)
        return pltpu.make_async_copy(
            buf.at[par], out_hbm.at[pl.ds(base + i * GB, GB)], wsem.at[par])

      for j in range(RING):
        g_desc(j).start()

      def body(i, carry):
        g_desc(i).wait()
        w_desc(i).start()

        @pl.when(jnp.logical_and(i >= 1, i + RING - 1 < NCH))
        def _():
          w_desc(i - 1).wait()
          g_desc(i + RING - 1).start()

        return carry

      lax.fori_loop(0, NCH, body, 0)
      for j in range(RING):
        w_desc(NCH - RING + j).wait()

    run(idx_s, gs_hbm)
    run(idx_r, gr_hbm)

  return k(nodes_u, senders, receivers)


EPT = E // NS
SB = 80
NCHS = EPT // SB
NPAD = 10240
NPT = NPAD // NS
DH = D // NC
NLAST = N - (NS - 1) * NPT


def _sc_scatter(ue, receivers, zeros_half):

  @functools.partial(
      pl.kernel,
      out_type=jax.ShapeDtypeStruct((N, D), jnp.float32),
      mesh=_MESH(),
      scratch_types=[
          pltpu.VMEM((RING, SB), jnp.int32),
          pltpu.VMEM((RING, SB, DH), jnp.float32),
          pltpu.VMEM_SHARED((NPAD, DH), jnp.float32),
          pltpu.SemaphoreType.DMA((RING,)),
          pltpu.SemaphoreType.DMA((RING,)),
      ],
  )
  def k(ue_hbm, rcv_hbm, zero_hbm, agg_hbm, idx_v, rows_v, acc_sh, lsem,
        asem):
    c = lax.axis_index("c")
    s = lax.axis_index("s")
    col = pl.multiple_of(c * DH, DH)
    pltpu.sync_copy(zero_hbm, acc_sh.at[pl.ds(s * NPT, NPT)])
    plsc.subcore_barrier()
    ebase = s * EPT

    def idx_desc(i):
      par = lax.rem(i, RING)
      off = ebase + i * SB
      return pltpu.make_async_copy(rcv_hbm.at[pl.ds(off, SB)],
                                   idx_v.at[par], lsem.at[par])

    def rows_desc(i):
      par = lax.rem(i, RING)
      off = ebase + i * SB
      return pltpu.make_async_copy(
          ue_hbm.at[pl.ds(off, SB), pl.ds(col, DH)], rows_v.at[par],
          lsem.at[par])

    def add_start(i):
      par = lax.rem(i, RING)
      pltpu.async_copy(rows_v.at[par], acc_sh.at[idx_v.at[par]],
                       asem.at[par], add=True)

    def add_wait(i):
      par = lax.rem(i, RING)
      pltpu.make_async_copy(rows_v.at[par], acc_sh.at[idx_v.at[par]],
                            asem.at[par]).wait()

    def fire_load(i):
      idx_desc(i).start()
      rows_desc(i).start()

    for j in range(RING):
      fire_load(j)

    def body(i, carry):
      idx_desc(i).wait()
      rows_desc(i).wait()
      add_start(i)

      @pl.when(jnp.logical_and(i >= 1, i + RING - 1 < NCHS))
      def _():
        add_wait(i - 1)
        fire_load(i + RING - 1)

      return carry

    lax.fori_loop(0, NCHS, body, 0)
    for j in range(RING):
      add_wait(NCHS - RING + j)
    plsc.subcore_barrier()
    @pl.when(s < NS - 1)
    def _():
      pltpu.sync_copy(acc_sh.at[pl.ds(s * NPT, NPT)],
                      agg_hbm.at[pl.ds(s * NPT, NPT), pl.ds(col, DH)])

    @pl.when(s == NS - 1)
    def _():
      pltpu.sync_copy(acc_sh.at[pl.ds((NS - 1) * NPT, NLAST)],
                      agg_hbm.at[pl.ds((NS - 1) * NPT, NLAST),
                                 pl.ds(col, DH)])

  return k(ue, receivers, zeros_half)


BP = 1000


def _tc_pack(nodes):

  def body(n_r, out_r):
    xb = jax.lax.bitcast_convert_type(n_r[...], jnp.uint32)
    xb = xb + jnp.uint32(0x8000)
    out_r[...] = (xb[:, :DP] >> 16) | (xb[:, DP:] & jnp.uint32(0xFFFF0000))

  return pl.pallas_call(
      body,
      grid=(N // BP,),
      in_specs=[pl.BlockSpec((BP, D), lambda i: (i, 0))],
      out_specs=pl.BlockSpec((BP, DP), lambda i: (i, 0)),
      out_shape=jax.ShapeDtypeStruct((N, DP), jnp.uint32),
  )(nodes)


BE = 800


def _tc_edge_mlp(gs, gr, ed, w1, b1, w2, b2):
  def body(gs_r, gr_r, ed_r, w1_r, b1_r, w2_r, b2_r, out_r):
    bf = jnp.bfloat16
    hi = jnp.uint32(0xFFFF0000)

    def unpack(u):
      lo = jax.lax.bitcast_convert_type(u << 16, jnp.float32).astype(bf)
      up = jax.lax.bitcast_convert_type(u & hi, jnp.float32).astype(bf)
      return lo, up

    gsl, gsu = unpack(gs_r[...])
    grl, gru = unpack(gr_r[...])
    x = jnp.concatenate([gsl, gsu, grl, gru, ed_r[...]], axis=1)
    h = jnp.dot(x, w1_r[...], preferred_element_type=jnp.float32)
    h = jnp.maximum(h + b1_r[...], 0.0).astype(bf)
    out_r[...] = (jnp.dot(h, w2_r[...], preferred_element_type=jnp.float32)
                  + b2_r[...])

  full = lambda shape: pl.BlockSpec(shape, lambda i: (0, 0))
  return pl.pallas_call(
      body,
      grid=(E // BE,),
      in_specs=[
          pl.BlockSpec((BE, DP), lambda i: (i, 0)),
          pl.BlockSpec((BE, DP), lambda i: (i, 0)),
          pl.BlockSpec((BE, DE), lambda i: (i, 0)),
          full((2 * D + DE, H)),
          full((1, H)),
          full((H, D)),
          full((1, D)),
      ],
      out_specs=pl.BlockSpec((BE, D), lambda i: (i, 0)),
      out_shape=jax.ShapeDtypeStruct((E, D), jnp.float32),
  )(gs, gr, ed, w1, b1, w2, b2)


BN = 1000


def _tc_node_mlp(nodes, agg, w1a, w1b, b1, w2, b2):
  def body(n_r, a_r, w1a_r, w1b_r, b1_r, w2_r, b2_r, out_r):
    h = jnp.dot(n_r[...], w1a_r[...], preferred_element_type=jnp.float32)
    h = h + jnp.dot(a_r[...].astype(jnp.bfloat16), w1b_r[...],
                    preferred_element_type=jnp.float32)
    h = jnp.maximum(h + b1_r[...], 0.0).astype(jnp.bfloat16)
    out_r[...] = (jnp.dot(h, w2_r[...], preferred_element_type=jnp.float32)
                  + b2_r[...])

  full = lambda shape: pl.BlockSpec(shape, lambda i: (0, 0))
  return pl.pallas_call(
      body,
      grid=(N // BN,),
      in_specs=[
          pl.BlockSpec((BN, D), lambda i: (i, 0)),
          pl.BlockSpec((BN, D), lambda i: (i, 0)),
          full((D, H)),
          full((D, H)),
          full((1, H)),
          full((H, D)),
          full((1, D)),
      ],
      out_specs=pl.BlockSpec((BN, D), lambda i: (i, 0)),
      out_shape=jax.ShapeDtypeStruct((N, D), jnp.float32),
  )(nodes, agg, w1a, w1b, b1, w2, b2)


def kernel(nodes, edges, senders, receivers,
           We1, be1, We2, be2, Wn1, bn1, Wn2, bn2):
  bf = jnp.bfloat16
  We1b, We2b = We1.astype(bf), We2.astype(bf)
  nodes_u = _tc_pack(nodes)
  gs, gr = _sc_gather(nodes_u, senders, receivers)
  ue = _tc_edge_mlp(gs, gr, edges.astype(bf), We1b,
                    be1.reshape(1, H), We2b, be2.reshape(1, D))
  zeros_half = jnp.zeros((NPT, DH), jnp.float32)
  agg = _sc_scatter(ue, receivers, zeros_half)
  Wn1b, Wn2b = Wn1.astype(bf), Wn2.astype(bf)
  un = _tc_node_mlp(nodes.astype(bf), agg, Wn1b[:D], Wn1b[D:],
                    bn1.reshape(1, H), Wn2b, bn2.reshape(1, D))
  return (un, ue)

# --- scband reference (transcript-rebuilt; emitter-appended) ---
"""Pipeline reference for scband-interaction-network-74852690035245 (READ-ONLY COPY).

The authoritative reference and input builder live on the scoring server;
editing this copy changes nothing except your own understanding.
"""

import jax, jax.numpy as jnp
import numpy as np

N = 10000
E = 160000
D = 256
DE = 16
H = 512


def _mlp(x, W1, b1, W2, b2):
    h = jax.nn.relu(jnp.dot(x, W1) + b1)
    return jnp.dot(h, W2) + b2


def setup_inputs(seed: int = 0) -> dict:
    key = jax.random.key(seed)
    ks = jax.random.split(key, 12)
    nodes = jax.random.normal(ks[0], (N, D), dtype=jnp.float32)
    edges = jax.random.normal(ks[1], (E, DE), dtype=jnp.float32)
    senders = jax.random.randint(ks[2], (E,), 0, N, dtype=jnp.int32)
    receivers = jax.random.randint(ks[3], (E,), 0, N, dtype=jnp.int32)
    We1 = jax.random.normal(ks[4], (2 * D + DE, H), dtype=jnp.float32) * 0.02
    be1 = jnp.zeros((H,), dtype=jnp.float32)
    We2 = jax.random.normal(ks[5], (H, D), dtype=jnp.float32) * 0.02
    be2 = jnp.zeros((D,), dtype=jnp.float32)
    Wn1 = jax.random.normal(ks[6], (2 * D, H), dtype=jnp.float32) * 0.02
    bn1 = jnp.zeros((H,), dtype=jnp.float32)
    Wn2 = jax.random.normal(ks[7], (H, D), dtype=jnp.float32) * 0.02
    bn2 = jnp.zeros((D,), dtype=jnp.float32)
    return {
        "nodes": nodes,
        "edges": edges,
        "senders": senders,
        "receivers": receivers,
        "We1": We1, "be1": be1, "We2": We2, "be2": be2,
        "Wn1": Wn1, "bn1": bn1, "Wn2": Wn2, "bn2": bn2,
    }


def reference(nodes, edges, senders, receivers, We1, be1, We2, be2, Wn1, bn1, Wn2, bn2):
    sender_nodes = jnp.take(nodes, senders, axis=0)
    receiver_nodes = jnp.take(nodes, receivers, axis=0)
    edge_inputs = jnp.concatenate([sender_nodes, receiver_nodes, edges], axis=-1)
    updated_edges = _mlp(edge_inputs, We1, be1, We2, be2)
    agg_received_edges = jnp.zeros_like(nodes).at[receivers].add(updated_edges)
    node_inputs = jnp.concatenate([nodes, agg_received_edges], axis=-1)
    updated_nodes = _mlp(node_inputs, Wn1, bn1, Wn2, bn2)
    return (updated_nodes, updated_edges)

if __name__ == "__main__":
    import jax
    _d = setup_inputs()
    print(jax.jit(kernel)(*tuple(_d.values())))

</pallas_src>

<mosaic_0001>
#map = affine_map<(d0, d1) -> (0, 0)>
#map1 = affine_map<(d0, d1) -> (0)>
module attributes {stable_mosaic.version = 14 : i64} {
  func.func @k(%arg0: i32, %arg1: i32, %arg2: memref<160000x256xf32, #tpu.memory_space<hbm>>, %arg3: memref<160000xi32, #tpu.memory_space<hbm>>, %arg4: memref<640x128xf32, #tpu.memory_space<hbm>>, %arg5: memref<10000x256xf32, #tpu.memory_space<hbm>>, %arg6: memref<4x80xi32, #tpu.memory_space<vmem>>, %arg7: memref<4x80x128xf32, #tpu.memory_space<vmem>>, %arg8: memref<10240x128xf32, #tpu.memory_space<vmem_shared>>, %arg9: memref<4x!tpu.dma_semaphore, #tpu.memory_space<semaphore_mem>>, %arg10: memref<4x!tpu.dma_semaphore, #tpu.memory_space<semaphore_mem>>) attributes {dimension_semantics = [#tpu.dimension_semantics<core_parallel>, #tpu.dimension_semantics<subcore_parallel>], iteration_bounds = array<i64: 2, 16>, scalar_prefetch = 0 : i64, scratch_operands = 5 : i64, tpu.core_type = #tpu.core_type<sc_vector_subcore>, window_params = [{transform_indices = #map}, {transform_indices = #map1}, {transform_indices = #map}, {transform_indices = #map}]} {
    %mul3A = arith.constant 128 : i32
    %mul3A_0 = arith.muli %arg0, %mul3A : i32
    %multiple_of3A = tpu.assume_multiple %mul3A_0, 128 : i32
    %mul3A_1 = arith.constant 640 : i32
    %mul3A_2 = arith.muli %arg1, %mul3A_1 : i32
    "tpu.region"() ({
      %run_scoped3A = tpu.sem_alloc : memref<!tpu.dma_semaphore, #tpu.memory_space<semaphore_mem>>
      %dma_start3A_201 = arith.constant 0 : i32
      %dma_start3A_202 = tpu.memref_slice %arg8[%mul3A_2, %dma_start3A_201] : memref<10240x128xf32, #tpu.memory_space<vmem_shared>> -> memref<640x128xf32, #tpu.memory_space<vmem_shared>>
      tpu.enqueue_dma source(%arg4 : memref<640x128xf32, #tpu.memory_space<hbm>>) target(%dma_start3A_202 : memref<640x128xf32, #tpu.memory_space<vmem_shared>>) target_semaphore(%run_scoped3A : memref<!tpu.dma_semaphore, #tpu.memory_space<semaphore_mem>>)
      %dma_wait3A_203 = arith.constant 0 : i32
      %dma_wait3A_204 = tpu.memref_slice %arg8[%mul3A_2, %dma_wait3A_203] : memref<10240x128xf32, #tpu.memory_space<vmem_shared>> -> memref<640x128xf32, #tpu.memory_space<vmem_shared>>
      tpu.wait_dma2 semaphore(%run_scoped3A : memref<!tpu.dma_semaphore, #tpu.memory_space<semaphore_mem>>) src(%arg4 : memref<640x128xf32, #tpu.memory_space<hbm>>) dst(%dma_wait3A_204 : memref<640x128xf32, #tpu.memory_space<vmem_shared>>)
      tpu.yield
    }) : () -> ()
    %barrier3A = arith.constant 0 : index
    tpu.barrier barrier_id(%barrier3A)
    %mul3A_3 = arith.constant 10000 : i32
    %mul3A_4 = arith.muli %arg1, %mul3A_3 : i32
    %rem3A = arith.constant 0 : i32
    %rem3A_5 = arith.constant 4 : i32
    %rem3A_6 = arith.remsi %rem3A, %rem3A_5 : i32
    %add3A = arith.constant 0 : i32
    %add3A_7 = arith.addi %mul3A_4, %add3A : i32
    %dma_start3A = arith.constant 0 : i32
    %dma_start3A_8 = tpu.memref_slice %arg6[%rem3A_6, %dma_start3A] : memref<4x80xi32, #tpu.memory_space<vmem>> -> memref<1x80xi32, #tpu.memory_space<vmem>>
    %dma_start3A_9 = tpu.memref_squeeze %dma_start3A_8 : memref<1x80xi32, #tpu.memory_space<vmem>> -> memref<80xi32, #tpu.memory_space<vmem>>
    %dma_start3A_10 = tpu.memref_slice %arg3[%add3A_7] : memref<160000xi32, #tpu.memory_space<hbm>> -> memref<80xi32, #tpu.memory_space<hbm>>
    %dma_start3A_11 = tpu.memref_slice %arg9[%rem3A_6] : memref<4x!tpu.dma_semaphore, #tpu.memory_space<semaphore_mem>> -> memref<1x!tpu.dma_semaphore, #tpu.memory_space<semaphore_mem>>
    %dma_start3A_12 = tpu.memref_squeeze %dma_start3A_11 : memref<1x!tpu.dma_semaphore, #tpu.memory_space<semaphore_mem>> -> memref<!tpu.dma_semaphore, #tpu.memory_space<semaphore_mem>>
    %dma_start3A_13 = arith.constant 0 : i32
    %dma_start3A_14 = tpu.memref_slice %arg6[%rem3A_6, %dma_start3A_13] : memref<4x80xi32, #tpu.memory_space<vmem>> -> memref<1x80xi32, #tpu.memory_space<vmem>>
    %dma_start3A_15 = tpu.memref_squeeze %dma_start3A_14 : memref<1x80xi32, #tpu.memory_space<vmem>> -> memref<80xi32, #tpu.memory_space<vmem>>
    %dma_start3A_16 = tpu.memref_slice %arg3[%add3A_7] : memref<160000xi32, #tpu.memory_space<hbm>> -> memref<80xi32, #tpu.memory_space<hbm>>
    tpu.enqueue_dma source(%dma_start3A_16 : memref<80xi32, #tpu.memory_space<hbm>>) target(%dma_start3A_15 : memref<80xi32, #tpu.memory_space<vmem>>) target_semaphore(%dma_start3A_12 : memref<!tpu.dma_semaphore, #tpu.memory_space<semaphore_mem>>)
    %rem3A_17 = arith.constant 0 : i32
    %rem3A_18 = arith.constant 4 : i32
    %rem3A_19 = arith.remsi %rem3A_17, %rem3A_18 : i32
    %add3A_20 = arith.constant 0 : i32
    %add3A_21 = arith.addi %mul3A_4, %add3A_20 : i32
    %dma_start3A_22 = arith.constant 0 : i32
    %dma_start3A_23 = arith.constant 0 : i32
    %dma_start3A_24 = tpu.memref_slice %arg7[%rem3A_19, %dma_start3A_22, %dma_start3A_23] : memref<4x80x128xf32, #tpu.memory_space<vmem>> -> memref<1x80x128xf32, #tpu.memory_space<vmem>>
    %dma_start3A_25 = tpu.memref_squeeze %dma_start3A_24 : memref<1x80x128xf32, #tpu.memory_space<vmem>> -> memref<80x128xf32, #tpu.memory_space<vmem>>
    %dma_start3A_26 = tpu.memref_slice %arg2[%add3A_21, %multiple_of3A] : memref<160000x256xf32, #tpu.memory_space<hbm>> -> memref<80x128xf32, #tpu.memory_space<hbm>>
    %dma_start3A_27 = tpu.memref_slice %arg9[%rem3A_19] : memref<4x!tpu.dma_semaphore, #tpu.memory_space<semaphore_mem>> -> memref<1x!tpu.dma_semaphore, #tpu.memory_space<semaphore_mem>>
    %dma_start3A_28 = tpu.memref_squeeze %dma_start3A_27 : memref<1x!tpu.dma_semaphore, #tpu.memory_space<semaphore_mem>> -> memref<!tpu.dma_semaphore, #tpu.memory_space<semaphore_mem>>
    %dma_start3A_29 = arith.constant 0 : i32
    %dma_start3A_30 = arith.constant 0 : i32
    %dma_start3A_31 = tpu.memref_slice %arg7[%rem3A_19, %dma_start3A_29, %dma_start3A_30] : memref<4x80x128xf32, #tpu.memory_space<vmem>> -> memref<1x80x128xf32, #tpu.memory_space<vmem>>
    %dma_start3A_32 = tpu.memref_squeeze %dma_start3A_31 : memref<1x80x128xf32, #tpu.memory_space<vmem>> -> memref<80x128xf32, #tpu.memory_space<vmem>>
    %dma_start3A_33 = tpu.memref_slice %arg2[%add3A_21, %multiple_of3A] : memref<160000x256xf32, #tpu.memory_space<hbm>> -> memref<80x128xf32, #tpu.memory_space<hbm>>
    tpu.enqueue_dma source(%dma_start3A_33 : memref<80x128xf32, #tpu.memory_space<hbm>>) target(%dma_start3A_32 : memref<80x128xf32, #tpu.memory_space<vmem>>) target_semaphore(%dma_start3A_28 : memref<!tpu.dma_semaphore, #tpu.memory_space<semaphore_mem>>)
    %rem3A_34 = arith.constant 1 : i32
    %rem3A_35 = arith.constant 4 : i32
    %rem3A_36 = arith.remsi %rem3A_34, %rem3A_35 : i32
    %add3A_37 = arith.constant 80 : i32
    %add3A_38 = arith.addi %mul3A_4, %add3A_37 : i32
    %dma_start3A_39 = arith.constant 0 : i32
    %dma_start3A_40 = tpu.memref_slice %arg6[%rem3A_36, %dma_start3A_39] : memref<4x80xi32, #tpu.memory_space<vmem>> -> memref<1x80xi32, #tpu.memory_space<vmem>>
    %dma_start3A_41 = tpu.memref_squeeze %dma_start3A_40 : memref<1x80xi32, #tpu.memory_space<vmem>> -> memref<80xi32, #tpu.memory_space<vmem>>
    %dma_start3A_42 = tpu.memref_slice %arg3[%add3A_38] : memref<160000xi32, #tpu.memory_space<hbm>> -> memref<80xi32, #tpu.memory_space<hbm>>
    %dma_start3A_43 = tpu.memref_slice %arg9[%rem3A_36] : memref<4x!tpu.dma_semaphore, #tpu.memory_space<semaphore_mem>> -> memref<1x!tpu.dma_semaphore, #tpu.memory_space<semaphore_mem>>
    %dma_start3A_44 = tpu.memref_squeeze %dma_start3A_43 : memref<1x!tpu.dma_semaphore, #tpu.memory_space<semaphore_mem>> -> memref<!tpu.dma_semaphore, #tpu.memory_space<semaphore_mem>>
    %dma_start3A_45 = arith.constant 0 : i32
    %dma_start3A_46 = tpu.memref_slice %arg6[%rem3A_36, %dma_start3A_45] : memref<4x80xi32, #tpu.memory_space<vmem>> -> memref<1x80xi32, #tpu.memory_space<vmem>>
    %dma_start3A_47 = tpu.memref_squeeze %dma_start3A_46 : memref<1x80xi32, #tpu.memory_space<vmem>> -> memref<80xi32, #tpu.memory_space<vmem>>
    %dma_start3A_48 = tpu.memref_slice %arg3[%add3A_38] : memref<160000xi32, #tpu.memory_space<hbm>> -> memref<80xi32, #tpu.memory_space<hbm>>
    tpu.enqueue_dma source(%dma_start3A_48 : memref<80xi32, #tpu.memory_space<hbm>>) target(%dma_start3A_47 : memref<80xi32, #tpu.memory_space<vmem>>) target_semaphore(%dma_start3A_44 : memref<!tpu.dma_semaphore, #tpu.memory_space<semaphore_mem>>)
    %rem3A_49 = arith.constant 1 : i32
    %rem3A_50 = arith.constant 4 : i32
    %rem3A_51 = arith.remsi %rem3A_49, %rem3A_50 : i32
    %add3A_52 = arith.constant 80 : i32
    %add3A_53 = arith.addi %mul3A_4, %add3A_52 : i32
    %dma_start3A_54 = arith.constant 0 : i32
    %dma_start3A_55 = arith.constant 0 : i32
    %dma_start3A_56 = tpu.memref_slice %arg7[%rem3A_51, %dma_start3A_54, %dma_start3A_55] : memref<4x80x128xf32, #tpu.memory_space<vmem>> -> memref<1x80x128xf32, #tpu.memory_space<vmem>>
    %dma_start3A_57 = tpu.memref_squeeze %dma_start3A_56 : memref<1x80x128xf32, #tpu.memory_space<vmem>> -> memref<80x128xf32, #tpu.memory_space<vmem>>
    %dma_start3A_58 = tpu.memref_slice %arg2[%add3A_53, %multiple_of3A] : memref<160000x256xf32, #tpu.memory_space<hbm>> -> memref<80x128xf32, #tpu.memory_space<hbm>>
    %dma_start3A_59 = tpu.memref_slice %arg9[%rem3A_51] : memref<4x!tpu.dma_semaphore, #tpu.memory_space<semaphore_mem>> -> memref<1x!tpu.dma_semaphore, #tpu.memory_space<semaphore_mem>>
    %dma_start3A_60 = tpu.memref_squeeze %dma_start3A_59 : memref<1x!tpu.dma_semaphore, #tpu.memory_space<semaphore_mem>> -> memref<!tpu.dma_semaphore, #tpu.memory_space<semaphore_mem>>
    %dma_start3A_61 = arith.constant 0 : i32
    %dma_start3A_62 = arith.constant 0 : i32
    %dma_start3A_63 = tpu.memref_slice %arg7[%rem3A_51, %dma_start3A_61, %dma_start3A_62] : memref<4x80x128xf32, #tpu.memory_space<vmem>> -> memref<1x80x128xf32, #tpu.memory_space<vmem>>
    %dma_start3A_64 = tpu.memref_squeeze %dma_start3A_63 : memref<1x80x128xf32, #tpu.memory_space<vmem>> -> memref<80x128xf32, #tpu.memory_space<vmem>>
    %dma_start3A_65 = tpu.memref_slice %arg2[%add3A_53, %multiple_of3A] : memref<160000x256xf32, #tpu.memory_space<hbm>> -> memref<80x128xf32, #tpu.memory_space<hbm>>
    tpu.enqueue_dma source(%dma_start3A_65 : memref<80x128xf32, #tpu.memory_space<hbm>>) target(%dma_start3A_64 : memref<80x128xf32, #tpu.memory_space<vmem>>) target_semaphore(%dma_start3A_60 : memref<!tpu.dma_semaphore, #tpu.memory_space<semaphore_mem>>)
    %rem3A_66 = arith.constant 2 : i32
    %rem3A_67 = arith.constant 4 : i32
    %rem3A_68 = arith.remsi %rem3A_66, %rem3A_67 : i32
    %add3A_69 = arith.constant 160 : i32
    %add3A_70 = arith.addi %mul3A_4, %add3A_69 : i32
    %dma_start3A_71 = arith.constant 0 : i32
    %dma_start3A_72 = tpu.memref_slice %arg6[%rem3A_68, %dma_start3A_71] : memref<4x80xi32, #tpu.memory_space<vmem>> -> memref<1x80xi32, #tpu.memory_space<vmem>>
    %dma_start3A_73 = tpu.memref_squeeze %dma_start3A_72 : memref<1x80xi32, #tpu.memory_space<vmem>> -> memref<80xi32, #tpu.memory_space<vmem>>
    %dma_start3A_74 = tpu.memref_slice %arg3[%add3A_70] : memref<160000xi32, #tpu.memory_space<hbm>> -> memref<80xi32, #tpu.memory_space<hbm>>
    %dma_start3A_75 = tpu.memref_slice %arg9[%rem3A_68] : memref<4x!tpu.dma_semaphore, #tpu.memory_space<semaphore_mem>> -> memref<1x!tpu.dma_semaphore, #tpu.memory_space<semaphore_mem>>
    %dma_start3A_76 = tpu.memref_squeeze %dma_start3A_75 : memref<1x!tpu.dma_semaphore, #tpu.memory_space<semaphore_mem>> -> memref<!tpu.dma_semaphore, #tpu.memory_space<semaphore_mem>>
    %dma_start3A_77 = arith.constant 0 : i32
    %dma_start3A_78 = tpu.memref_slice %arg6[%rem3A_68, %dma_start3A_77] : memref<4x80xi32, #tpu.memory_space<vmem>> -> memref<1x80xi32, #tpu.memory_space<vmem>>
    %dma_start3A_79 = tpu.memref_squeeze %dma_start3A_78 : memref<1x80xi32, #tpu.memory_space<vmem>> -> memref<80xi32, #tpu.memory_space<vmem>>
    %dma_start3A_80 = tpu.memref_slice %arg3[%add3A_70] : memref<160000xi32, #tpu.memory_space<hbm>> -> memref<80xi32, #tpu.memory_space<hbm>>
    tpu.enqueue_dma source(%dma_start3A_80 : memref<80xi32, #tpu.memory_space<hbm>>) target(%dma_start3A_79 : memref<80xi32, #tpu.memory_space<vmem>>) target_semaphore(%dma_start3A_76 : memref<!tpu.dma_semaphore, #tpu.memory_space<semaphore_mem>>)
    %rem3A_81 = arith.constant 2 : i32
    %rem3A_82 = arith.constant 4 : i32
    %rem3A_83 = arith.remsi %rem3A_81, %rem3A_82 : i32
    %add3A_84 = arith.constant 160 : i32
    %add3A_85 = arith.addi %mul3A_4, %add3A_84 : i32
    %dma_start3A_86 = arith.constant 0 : i32
    %dma_start3A_87 = arith.constant 0 : i32
    %dma_start3A_88 = tpu.memref_slice %arg7[%rem3A_83, %dma_start3A_86, %dma_start3A_87] : memref<4x80x128xf32, #tpu.memory_space<vmem>> -> memref<1x80x128xf32, #tpu.memory_space<vmem>>
    %dma_start3A_89 = tpu.memref_squeeze %dma_start3A_88 : memref<1x80x128xf32, #tpu.memory_space<vmem>> -> memref<80x128xf32, #tpu.memory_space<vmem>>
    %dma_start3A_90 = tpu.memref_slice %arg2[%add3A_85, %multiple_of3A] : memref<160000x256xf32, #tpu.memory_space<hbm>> -> memref<80x128xf32, #tpu.memory_space<hbm>>
    %dma_start3A_91 = tpu.memref_slice %arg9[%rem3A_83] : memref<4x!tpu.dma_semaphore, #tpu.memory_space<semaphore_mem>> -> memref<1x!tpu.dma_semaphore, #tpu.memory_space<semaphore_mem>>
    %dma_start3A_92 = tpu.memref_squeeze %dma_start3A_91 : memref<1x!tpu.dma_semaphore, #tpu.memory_space<semaphore_mem>> -> memref<!tpu.dma_semaphore, #tpu.memory_space<semaphore_mem>>
    %dma_start3A_93 = arith.constant 0 : i32
    %dma_start3A_94 = arith.constant 0 : i32
    %dma_start3A_95 = tpu.memref_slice %arg7[%rem3A_83, %dma_start3A_93, %dma_start3A_94] : memref<4x80x128xf32, #tpu.memory_space<vmem>> -> memref<1x80x128xf32, #tpu.memory_space<vmem>>
    %dma_start3A_96 = tpu.memref_squeeze %dma_start3A_95 : memref<1x80x128xf32, #tpu.memory_space<vmem>> -> memref<80x128xf32, #tpu.memory_space<vmem>>
    %dma_start3A_97 = tpu.memref_slice %arg2[%add3A_85, %multiple_of3A] : memref<160000x256xf32, #tpu.memory_space<hbm>> -> memref<80x128xf32, #tpu.memory_space<hbm>>
    tpu.enqueue_dma source(%dma_start3A_97 : memref<80x128xf32, #tpu.memory_space<hbm>>) target(%dma_start3A_96 : memref<80x128xf32, #tpu.memory_space<vmem>>) target_semaphore(%dma_start3A_92 : memref<!tpu.dma_semaphore, #tpu.memory_space<semaphore_mem>>)
    %rem3A_98 = arith.constant 3 : i32
    %rem3A_99 = arith.constant 4 : i32
    %rem3A_100 = arith.remsi %rem3A_98, %rem3A_99 : i32
    %add3A_101 = arith.constant 240 : i32
    %add3A_102 = arith.addi %mul3A_4, %add3A_101 : i32
    %dma_start3A_103 = arith.constant 0 : i32
    %dma_start3A_104 = tpu.memref_slice %arg6[%rem3A_100, %dma_start3A_103] : memref<4x80xi32, #tpu.memory_space<vmem>> -> memref<1x80xi32, #tpu.memory_space<vmem>>
    %dma_start3A_105 = tpu.memref_squeeze %dma_start3A_104 : memref<1x80xi32, #tpu.memory_space<vmem>> -> memref<80xi32, #tpu.memory_space<vmem>>
    %dma_start3A_106 = tpu.memref_slice %arg3[%add3A_102] : memref<160000xi32, #tpu.memory_space<hbm>> -> memref<80xi32, #tpu.memory_space<hbm>>
    %dma_start3A_107 = tpu.memref_slice %arg9[%rem3A_100] : memref<4x!tpu.dma_semaphore, #tpu.memory_space<semaphore_mem>> -> memref<1x!tpu.dma_semaphore, #tpu.memory_space<semaphore_mem>>
    %dma_start3A_108 = tpu.memref_squeeze %dma_start3A_107 : memref<1x!tpu.dma_semaphore, #tpu.memory_space<semaphore_mem>> -> memref<!tpu.dma_semaphore, #tpu.memory_space<semaphore_mem>>
    %dma_start3A_109 = arith.constant 0 : i32
    %dma_start3A_110 = tpu.memref_slice %arg6[%rem3A_100, %dma_start3A_109] : memref<4x80xi32, #tpu.memory_space<vmem>> -> memref<1x80xi32, #tpu.memory_space<vmem>>
    %dma_start3A_111 = tpu.memref_squeeze %dma_start3A_110 : memref<1x80xi32, #tpu.memory_space<vmem>> -> memref<80xi32, #tpu.memory_space<vmem>>
    %dma_start3A_112 = tpu.memref_slice %arg3[%add3A_102] : memref<160000xi32, #tpu.memory_space<hbm>> -> memref<80xi32, #tpu.memory_space<hbm>>
    tpu.enqueue_dma source(%dma_start3A_112 : memref<80xi32, #tpu.memory_space<hbm>>) target(%dma_start3A_111 : memref<80xi32, #tpu.memory_space<vmem>>) target_semaphore(%dma_start3A_108 : memref<!tpu.dma_semaphore, #tpu.memory_space<semaphore_mem>>)
    %rem3A_113 = arith.constant 3 : i32
    %rem3A_114 = arith.constant 4 : i32
    %rem3A_115 = arith.remsi %rem3A_113, %rem3A_114 : i32
    %add3A_116 = arith.constant 240 : i32
    %add3A_117 = arith.addi %mul3A_4, %add3A_116 : i32
    %dma_start3A_118 = arith.constant 0 : i32
    %dma_start3A_119 = arith.constant 0 : i32
    %dma_start3A_120 = tpu.memref_slice %arg7[%rem3A_115, %dma_start3A_118, %dma_start3A_119] : memref<4x80x128xf32, #tpu.memory_space<vmem>> -> memref<1x80x128xf32, #tpu.memory_space<vmem>>
    %dma_start3A_121 = tpu.memref_squeeze %dma_start3A_120 : memref<1x80x128xf32, #tpu.memory_space<vmem>> -> memref<80x128xf32, #tpu.memory_space<vmem>>
    %dma_start3A_122 = tpu.memref_slice %arg2[%add3A_117, %multiple_of3A] : memref<160000x256xf32, #tpu.memory_space<hbm>> -> memref<80x128xf32, #tpu.memory_space<hbm>>
    %dma_start3A_123 = tpu.memref_slice %arg9[%rem3A_115] : memref<4x!tpu.dma_semaphore, #tpu.memory_space<semaphore_mem>> -> memref<1x!tpu.dma_semaphore, #tpu.memory_space<semaphore_mem>>
    %dma_start3A_124 = tpu.memref_squeeze %dma_start3A_123 : memref<1x!tpu.dma_semaphore, #tpu.memory_space<semaphore_mem>> -> memref<!tpu.dma_semaphore, #tpu.memory_space<semaphore_mem>>
    %dma_start3A_125 = arith.constant 0 : i32
    %dma_start3A_126 = arith.constant 0 : i32
    %dma_start3A_127 = tpu.memref_slice %arg7[%rem3A_115, %dma_start3A_125, %dma_start3A_126] : memref<4x80x128xf32, #tpu.memory_space<vmem>> -> memref<1x80x128xf32, #tpu.memory_space<vmem>>
    %dma_start3A_128 = tpu.memref_squeeze %dma_start3A_127 : memref<1x80x128xf32, #tpu.memory_space<vmem>> -> memref<80x128xf32, #tpu.memory_space<vmem>>
    %dma_start3A_129 = tpu.memref_slice %arg2[%add3A_117, %multiple_of3A] : memref<160000x256xf32, #tpu.memory_space<hbm>> -> memref<80x128xf32, #tpu.memory_space<hbm>>
    tpu.enqueue_dma source(%dma_start3A_129 : memref<80x128xf32, #tpu.memory_space<hbm>>) target(%dma_start3A_128 : memref<80x128xf32, #tpu.memory_space<vmem>>) target_semaphore(%dma_start3A_124 : memref<!tpu.dma_semaphore, #tpu.memory_space<semaphore_mem>>)
    %scan3A = arith.constant 0 : i32
    %scan3A_130 = arith.constant 0 : i32
    %scan3A_131 = arith.constant 125 : i32
    %scan3A_132 = arith.addi %scan3A_130, %scan3A_131 : i32
    %scan3A_133 = arith.constant 1 : i32
    scf.for %scan3A_201 = %scan3A_130 to %scan3A_132 step %scan3A_133  : i32 {
      %rem3A_202 = arith.constant 4 : i32
      %rem3A_203 = arith.remsi %scan3A_201, %rem3A_202 : i32
      %mul3A_204 = arith.constant 80 : i32
      %mul3A_205 = arith.muli %scan3A_201, %mul3A_204 : i32
      %add3A_206 = arith.addi %mul3A_4, %mul3A_205 : i32
      %dma_wait3A_207 = arith.constant 0 : i32
      %dma_wait3A_208 = tpu.memref_slice %arg6[%rem3A_203, %dma_wait3A_207] : memref<4x80xi32, #tpu.memory_space<vmem>> -> memref<1x80xi32, #tpu.memory_space<vmem>>
      %dma_wait3A_209 = tpu.memref_squeeze %dma_wait3A_208 : memref<1x80xi32, #tpu.memory_space<vmem>> -> memref<80xi32, #tpu.memory_space<vmem>>
      %dma_wait3A_210 = tpu.memref_slice %arg3[%add3A_206] : memref<160000xi32, #tpu.memory_space<hbm>> -> memref<80xi32, #tpu.memory_space<hbm>>
      %dma_wait3A_211 = tpu.memref_slice %arg9[%rem3A_203] : memref<4x!tpu.dma_semaphore, #tpu.memory_space<semaphore_mem>> -> memref<1x!tpu.dma_semaphore, #tpu.memory_space<semaphore_mem>>
      %dma_wait3A_212 = tpu.memref_squeeze %dma_wait3A_211 : memref<1x!tpu.dma_semaphore, #tpu.memory_space<semaphore_mem>> -> memref<!tpu.dma_semaphore, #tpu.memory_space<semaphore_mem>>
      %dma_wait3A_213 = arith.constant 0 : i32
      %dma_wait3A_214 = tpu.memref_slice %arg6[%rem3A_203, %dma_wait3A_213] : memref<4x80xi32, #tpu.memory_space<vmem>> -> memref<1x80xi32, #tpu.memory_space<vmem>>
      %dma_wait3A_215 = tpu.memref_squeeze %dma_wait3A_214 : memref<1x80xi32, #tpu.memory_space<vmem>> -> memref<80xi32, #tpu.memory_space<vmem>>
      %dma_wait3A_216 = tpu.memref_slice %arg3[%add3A_206] : memref<160000xi32, #tpu.memory_space<hbm>> -> memref<80xi32, #tpu.memory_space<hbm>>
      tpu.wait_dma2 semaphore(%dma_wait3A_212 : memref<!tpu.dma_semaphore, #tpu.memory_space<semaphore_mem>>) src(%dma_wait3A_216 : memref<80xi32, #tpu.memory_space<hbm>>) dst(%dma_wait3A_215 : memref<80xi32, #tpu.memory_space<vmem>>)
      %rem3A_217 = arith.constant 4 : i32
      %rem3A_218 = arith.remsi %scan3A_201, %rem3A_217 : i32
      %mul3A_219 = arith.constant 80 : i32
      %mul3A_220 = arith.muli %scan3A_201, %mul3A_219 : i32
      %add3A_221 = arith.addi %mul3A_4, %mul3A_220 : i32
      %dma_wait3A_222 = arith.constant 0 : i32
      %dma_wait3A_223 = arith.constant 0 : i32
      %dma_wait3A_224 = tpu.memref_slice %arg7[%rem3A_218, %dma_wait3A_222, %dma_wait3A_223] : memref<4x80x128xf32, #tpu.memory_space<vmem>> -> memref<1x80x128xf32, #tpu.memory_space<vmem>>
      %dma_wait3A_225 = tpu.memref_squeeze %dma_wait3A_224 : memref<1x80x128xf32, #tpu.memory_space<vmem>> -> memref<80x128xf32, #tpu.memory_space<vmem>>
      %dma_wait3A_226 = tpu.memref_slice %arg2[%add3A_221, %multiple_of3A] : memref<160000x256xf32, #tpu.memory_space<hbm>> -> memref<80x128xf32, #tpu.memory_space<hbm>>
      %dma_wait3A_227 = tpu.memref_slice %arg9[%rem3A_218] : memref<4x!tpu.dma_semaphore, #tpu.memory_space<semaphore_mem>> -> memref<1x!tpu.dma_semaphore, #tpu.memory_space<semaphore_mem>>
      %dma_wait3A_228 = tpu.memref_squeeze %dma_wait3A_227 : memref<1x!tpu.dma_semaphore, #tpu.memory_space<semaphore_mem>> -> memref<!tpu.dma_semaphore, #tpu.memory_space<semaphore_mem>>
      %dma_wait3A_229 = arith.constant 0 : i32
      %dma_wait3A_230 = arith.constant 0 : i32
      %dma_wait3A_231 = tpu.memref_slice %arg7[%rem3A_218, %dma_wait3A_229, %dma_wait3A_230] : memref<4x80x128xf32, #tpu.memory_space<vmem>> -> memref<1x80x128xf32, #tpu.memory_space<vmem>>
      %dma_wait3A_232 = tpu.memref_squeeze %dma_wait3A_231 : memref<1x80x128xf32, #tpu.memory_space<vmem>> -> memref<80x128xf32, #tpu.memory_space<vmem>>
      %dma_wait3A_233 = tpu.memref_slice %arg2[%add3A_221, %multiple_of3A] : memref<160000x256xf32, #tpu.memory_space<hbm>> -> memref<80x128xf32, #tpu.memory_space<hbm>>
      tpu.wait_dma2 semaphore(%dma_wait3A_228 : memref<!tpu.dma_semaphore, #tpu.memory_space<semaphore_mem>>) src(%dma_wait3A_233 : memref<80x128xf32, #tpu.memory_space<hbm>>) dst(%dma_wait3A_232 : memref<80x128xf32, #tpu.memory_space<vmem>>)
      %rem3A_234 = arith.constant 4 : i32
      %rem3A_235 = arith.remsi %scan3A_201, %rem3A_234 : i32
      %dma_start3A_236 = arith.constant 0 : i32
      %dma_start3A_237 = arith.constant 0 : i32
      %dma_start3A_238 = tpu.memref_slice %arg7[%rem3A_235, %dma_start3A_236, %dma_start3A_237] : memref<4x80x128xf32, #tpu.memory_space<vmem>> -> memref<1x80x128xf32, #tpu.memory_space<vmem>>
      %dma_start3A_239 = tpu.memref_squeeze %dma_start3A_238 : memref<1x80x128xf32, #tpu.memory_space<vmem>> -> memref<80x128xf32, #tpu.memory_space<vmem>>
      %dma_start3A_240 = arith.constant 0 : i32
      %dma_start3A_241 = tpu.memref_slice %arg6[%rem3A_235, %dma_start3A_240] : memref<4x80xi32, #tpu.memory_space<vmem>> -> memref<1x80xi32, #tpu.memory_space<vmem>>
      %dma_start3A_242 = tpu.memref_squeeze %dma_start3A_241 : memref<1x80xi32, #tpu.memory_space<vmem>> -> memref<80xi32, #tpu.memory_space<vmem>>
      %dma_start3A_243 = arith.constant 0 : i32
      %dma_start3A_244 = arith.constant 0 : i32
      %dma_start3A_245 = tpu.memref_slice %arg8[%dma_start3A_243, %dma_start3A_244] : memref<10240x128xf32, #tpu.memory_space<vmem_shared>> -> memref<10240x128xf32, #tpu.memory_space<vmem_shared>>
      %dma_start3A_246 = tpu.memref_slice %arg10[%rem3A_235] : memref<4x!tpu.dma_semaphore, #tpu.memory_space<semaphore_mem>> -> memref<1x!tpu.dma_semaphore, #tpu.memory_space<semaphore_mem>>
      %dma_start3A_247 = tpu.memref_squeeze %dma_start3A_246 : memref<1x!tpu.dma_semaphore, #tpu.memory_space<semaphore_mem>> -> memref<!tpu.dma_semaphore, #tpu.memory_space<semaphore_mem>>
      tpu.enqueue_indirect_dma source(%dma_start3A_239 : memref<80x128xf32, #tpu.memory_space<vmem>>) target(%dma_start3A_245 : memref<10240x128xf32, #tpu.memory_space<vmem_shared>>) offsets(%dma_start3A_242 : memref<80xi32, #tpu.memory_space<vmem>>) semaphore(%dma_start3A_247 : memref<!tpu.dma_semaphore, #tpu.memory_space<semaphore_mem>>) {add = true}
      %ge3A = arith.constant 1 : i32
      %ge3A_248 = arith.cmpi sge, %scan3A_201, %ge3A : i32
      %add3A_249 = arith.constant 4 : i32
      %add3A_250 = arith.addi %scan3A_201, %add3A_249 : i32
      %sub3A = arith.constant 1 : i32
      %sub3A_251 = arith.subi %add3A_250, %sub3A : i32
      %lt3A_252 = arith.constant 125 : i32
      %lt3A_253 = arith.cmpi slt, %sub3A_251, %lt3A_252 : i32
      %and3A = arith.andi %ge3A_248, %lt3A_253 : i1
      %convert_element_type3A_254 = arith.extui %and3A : i1 to i32
      %cond3A_255 = arith.constant 0 : i32
      %cond3A_256 = arith.cmpi ne, %convert_element_type3A_254, %cond3A_255 : i32
      scf.if %cond3A_256 {
        %sub3A_257 = arith.constant 1 : i32
        %sub3A_258 = arith.subi %scan3A_201, %sub3A_257 : i32
        %rem3A_259 = arith.constant 4 : i32
        %rem3A_260 = arith.remsi %sub3A_258, %rem3A_259 : i32
        %dma_wait3A_261 = arith.constant 0 : i32
        %dma_wait3A_262 = arith.constant 0 : i32
        %dma_wait3A_263 = tpu.memref_slice %arg7[%rem3A_260, %dma_wait3A_261, %dma_wait3A_262] : memref<4x80x128xf32, #tpu.memory_space<vmem>> -> memref<1x80x128xf32, #tpu.memory_space<vmem>>
        %dma_wait3A_264 = tpu.memref_squeeze %dma_wait3A_263 : memref<1x80x128xf32, #tpu.memory_space<vmem>> -> memref<80x128xf32, #tpu.memory_space<vmem>>
        %dma_wait3A_265 = arith.constant 0 : i32
        %dma_wait3A_266 = tpu.memref_slice %arg6[%rem3A_260, %dma_wait3A_265] : memref<4x80xi32, #tpu.memory_space<vmem>> -> memref<1x80xi32, #tpu.memory_space<vmem>>
        %dma_wait3A_267 = tpu.memref_squeeze %dma_wait3A_266 : memref<1x80xi32, #tpu.memory_space<vmem>> -> memref<80xi32, #tpu.memory_space<vmem>>
        %dma_wait3A_268 = arith.constant 0 : i32
        %dma_wait3A_269 = arith.constant 0 : i32
        %dma_wait3A_270 = tpu.memref_slice %arg8[%dma_wait3A_268, %dma_wait3A_269] : memref<10240x128xf32, #tpu.memory_space<vmem_shared>> -> memref<10240x128xf32, #tpu.memory_space<vmem_shared>>
        %dma_wait3A_271 = tpu.memref_slice %arg10[%rem3A_260] : memref<4x!tpu.dma_semaphore, #tpu.memory_space<semaphore_mem>> -> memref<1x!tpu.dma_semaphore, #tpu.memory_space<semaphore_mem>>
        %dma_wait3A_272 = tpu.memref_squeeze %dma_wait3A_271 : memref<1x!tpu.dma_semaphore, #tpu.memory_space<semaphore_mem>> -> memref<!tpu.dma_semaphore, #tpu.memory_space<semaphore_mem>>
        tpu.wait_indirect_dma semaphore(%dma_wait3A_272 : memref<!tpu.dma_semaphore, #tpu.memory_space<semaphore_mem>>) src(%dma_wait3A_264 : memref<80x128xf32, #tpu.memory_space<vmem>>) dst(%dma_wait3A_270 : memref<10240x128xf32, #tpu.memory_space<vmem_shared>>)
        %add3A_273 = arith.constant 4 : i32
        %add3A_274 = arith.addi %scan3A_201, %add3A_273 : i32
        %sub3A_275 = arith.constant 1 : i32
        %sub3A_276 = arith.subi %add3A_274, %sub3A_275 : i32
        %rem3A_277 = arith.constant 4 : i32
        %rem3A_278 = arith.remsi %sub3A_276, %rem3A_277 : i32
        %mul3A_279 = arith.constant 80 : i32
        %mul3A_280 = arith.muli %sub3A_276, %mul3A_279 : i32
        %add3A_281 = arith.addi %mul3A_4, %mul3A_280 : i32
        %dma_start3A_282 = arith.constant 0 : i32
        %dma_start3A_283 = tpu.memref_slice %arg6[%rem3A_278, %dma_start3A_282] : memref<4x80xi32, #tpu.memory_space<vmem>> -> memref<1x80xi32, #tpu.memory_space<vmem>>
        %dma_start3A_284 = tpu.memref_squeeze %dma_start3A_283 : memref<1x80xi32, #tpu.memory_space<vmem>> -> memref<80xi32, #tpu.memory_space<vmem>>
        %dma_start3A_285 = tpu.memref_slice %arg3[%add3A_281] : memref<160000xi32, #tpu.memory_space<hbm>> -> memref<80xi32, #tpu.memory_space<hbm>>
        %dma_start3A_286 = tpu.memref_slice %arg9[%rem3A_278] : memref<4x!tpu.dma_semaphore, #tpu.memory_space<semaphore_mem>> -> memref<1x!tpu.dma_semaphore, #tpu.memory_space<semaphore_mem>>
        %dma_start3A_287 = tpu.memref_squeeze %dma_start3A_286 : memref<1x!tpu.dma_semaphore, #tpu.memory_space<semaphore_mem>> -> memref<!tpu.dma_semaphore, #tpu.memory_space<semaphore_mem>>
        %dma_start3A_288 = arith.constant 0 : i32
        %dma_start3A_289 = tpu.memref_slice %arg6[%rem3A_278, %dma_start3A_288] : memref<4x80xi32, #tpu.memory_space<vmem>> -> memref<1x80xi32, #tpu.memory_space<vmem>>
        %dma_start3A_290 = tpu.memref_squeeze %dma_start3A_289 : memref<1x80xi32, #tpu.memory_space<vmem>> -> memref<80xi32, #tpu.memory_space<vmem>>
        %dma_start3A_291 = tpu.memref_slice %arg3[%add3A_281] : memref<160000xi32, #tpu.memory_space<hbm>> -> memref<80xi32, #tpu.memory_space<hbm>>
        tpu.enqueue_dma source(%dma_start3A_291 : memref<80xi32, #tpu.memory_space<hbm>>) target(%dma_start3A_290 : memref<80xi32, #tpu.memory_space<vmem>>) target_semaphore(%dma_start3A_287 : memref<!tpu.dma_semaphore, #tpu.memory_space<semaphore_mem>>)
        %rem3A_292 = arith.constant 4 : i32
        %rem3A_293 = arith.remsi %sub3A_276, %rem3A_292 : i32
        %mul3A_294 = arith.constant 80 : i32
        %mul3A_295 = arith.muli %sub3A_276, %mul3A_294 : i32
        %add3A_296 = arith.addi %mul3A_4, %mul3A_295 : i32
        %dma_start3A_297 = arith.constant 0 : i32
        %dma_start3A_298 = arith.constant 0 : i32
        %dma_start3A_299 = tpu.memref_slice %arg7[%rem3A_293, %dma_start3A_297, %dma_start3A_298] : memref<4x80x128xf32, #tpu.memory_space<vmem>> -> memref<1x80x128xf32, #tpu.memory_space<vmem>>
        %dma_start3A_300 = tpu.memref_squeeze %dma_start3A_299 : memref<1x80x128xf32, #tpu.memory_space<vmem>> -> memref<80x128xf32, #tpu.memory_space<vmem>>
        %dma_start3A_301 = tpu.memref_slice %arg2[%add3A_296, %multiple_of3A] : memref<160000x256xf32, #tpu.memory_space<hbm>> -> memref<80x128xf32, #tpu.memory_space<hbm>>
        %dma_start3A_302 = tpu.memref_slice %arg9[%rem3A_293] : memref<4x!tpu.dma_semaphore, #tpu.memory_space<semaphore_mem>> -> memref<1x!tpu.dma_semaphore, #tpu.memory_space<semaphore_mem>>
        %dma_start3A_303 = tpu.memref_squeeze %dma_start3A_302 : memref<1x!tpu.dma_semaphore, #tpu.memory_space<semaphore_mem>> -> memref<!tpu.dma_semaphore, #tpu.memory_space<semaphore_mem>>
        %dma_start3A_304 = arith.constant 0 : i32
        %dma_start3A_305 = arith.constant 0 : i32
        %dma_start3A_306 = tpu.memref_slice %arg7[%rem3A_293, %dma_start3A_304, %dma_start3A_305] : memref<4x80x128xf32, #tpu.memory_space<vmem>> -> memref<1x80x128xf32, #tpu.memory_space<vmem>>
        %dma_start3A_307 = tpu.memref_squeeze %dma_start3A_306 : memref<1x80x128xf32, #tpu.memory_space<vmem>> -> memref<80x128xf32, #tpu.memory_space<vmem>>
        %dma_start3A_308 = tpu.memref_slice %arg2[%add3A_296, %multiple_of3A] : memref<160000x256xf32, #tpu.memory_space<hbm>> -> memref<80x128xf32, #tpu.memory_space<hbm>>
        tpu.enqueue_dma source(%dma_start3A_308 : memref<80x128xf32, #tpu.memory_space<hbm>>) target(%dma_start3A_307 : memref<80x128xf32, #tpu.memory_space<vmem>>) target_semaphore(%dma_start3A_303 : memref<!tpu.dma_semaphore, #tpu.memory_space<semaphore_mem>>)
      } else {
      }
    }
    %scan3A_134 = arith.constant 125 : i32
    %rem3A_135 = arith.constant 121 : i32
    %rem3A_136 = arith.constant 4 : i32
    %rem3A_137 = arith.remsi %rem3A_135, %rem3A_136 : i32
    %dma_wait3A = arith.constant 0 : i32
    %dma_wait3A_138 = arith.constant 0 : i32
    %dma_wait3A_139 = tpu.memref_slice %arg7[%rem3A_137, %dma_wait3A, %dma_wait3A_138] : memref<4x80x128xf32, #tpu.memory_space<vmem>> -> memref<1x80x128xf32, #tpu.memory_space<vmem>>
    %dma_wait3A_140 = tpu.memref_squeeze %dma_wait3A_139 : memref<1x80x128xf32, #tpu.memory_space<vmem>> -> memref<80x128xf32, #tpu.memory_space<vmem>>
    %dma_wait3A_141 = arith.constant 0 : i32
    %dma_wait3A_142 = tpu.memref_slice %arg6[%rem3A_137, %dma_wait3A_141] : memref<4x80xi32, #tpu.memory_space<vmem>> -> memref<1x80xi32, #tpu.memory_space<vmem>>
    %dma_wait3A_143 = tpu.memref_squeeze %dma_wait3A_142 : memref<1x80xi32, #tpu.memory_space<vmem>> -> memref<80xi32, #tpu.memory_space<vmem>>
    %dma_wait3A_144 = arith.constant 0 : i32
    %dma_wait3A_145 = arith.constant 0 : i32
    %dma_wait3A_146 = tpu.memref_slice %arg8[%dma_wait3A_144, %dma_wait3A_145] : memref<10240x128xf32, #tpu.memory_space<vmem_shared>> -> memref<10240x128xf32, #tpu.memory_space<vmem_shared>>
    %dma_wait3A_147 = tpu.memref_slice %arg10[%rem3A_137] : memref<4x!tpu.dma_semaphore, #tpu.memory_space<semaphore_mem>> -> memref<1x!tpu.dma_semaphore, #tpu.memory_space<semaphore_mem>>
    %dma_wait3A_148 = tpu.memref_squeeze %dma_wait3A_147 : memref<1x!tpu.dma_semaphore, #tpu.memory_space<semaphore_mem>> -> memref<!tpu.dma_semaphore, #tpu.memory_space<semaphore_mem>>
    tpu.wait_indirect_dma semaphore(%dma_wait3A_148 : memref<!tpu.dma_semaphore, #tpu.memory_space<semaphore_mem>>) src(%dma_wait3A_140 : memref<80x128xf32, #tpu.memory_space<vmem>>) dst(%dma_wait3A_146 : memref<10240x128xf32, #tpu.memory_space<vmem_shared>>)
    %rem3A_149 = arith.constant 122 : i32
    %rem3A_150 = arith.constant 4 : i32
    %rem3A_151 = arith.remsi %rem3A_149, %rem3A_150 : i32
    %dma_wait3A_152 = arith.constant 0 : i32
    %dma_wait3A_153 = arith.constant 0 : i32
    %dma_wait3A_154 = tpu.memref_slice %arg7[%rem3A_151, %dma_wait3A_152, %dma_wait3A_153] : memref<4x80x128xf32, #tpu.memory_space<vmem>> -> memref<1x80x128xf32, #tpu.memory_space<vmem>>
    %dma_wait3A_155 = tpu.memref_squeeze %dma_wait3A_154 : memref<1x80x128xf32, #tpu.memory_space<vmem>> -> memref<80x128xf32, #tpu.memory_space<vmem>>
    %dma_wait3A_156 = arith.constant 0 : i32
    %dma_wait3A_157 = tpu.memref_slice %arg6[%rem3A_151, %dma_wait3A_156] : memref<4x80xi32, #tpu.memory_space<vmem>> -> memref<1x80xi32, #tpu.memory_space<vmem>>
    %dma_wait3A_158 = tpu.memref_squeeze %dma_wait3A_157 : memref<1x80xi32, #tpu.memory_space<vmem>> -> memref<80xi32, #tpu.memory_space<vmem>>
    %dma_wait3A_159 = arith.constant 0 : i32
    %dma_wait3A_160 = arith.constant 0 : i32
    %dma_wait3A_161 = tpu.memref_slice %arg8[%dma_wait3A_159, %dma_wait3A_160] : memref<10240x128xf32, #tpu.memory_space<vmem_shared>> -> memref<10240x128xf32, #tpu.memory_space<vmem_shared>>
    %dma_wait3A_162 = tpu.memref_slice %arg10[%rem3A_151] : memref<4x!tpu.dma_semaphore, #tpu.memory_space<semaphore_mem>> -> memref<1x!tpu.dma_semaphore, #tpu.memory_space<semaphore_mem>>
    %dma_wait3A_163 = tpu.memref_squeeze %dma_wait3A_162 : memref<1x!tpu.dma_semaphore, #tpu.memory_space<semaphore_mem>> -> memref<!tpu.dma_semaphore, #tpu.memory_space<semaphore_mem>>
    tpu.wait_indirect_dma semaphore(%dma_wait3A_163 : memref<!tpu.dma_semaphore, #tpu.memory_space<semaphore_mem>>) src(%dma_wait3A_155 : memref<80x128xf32, #tpu.memory_space<vmem>>) dst(%dma_wait3A_161 : memref<10240x128xf32, #tpu.memory_space<vmem_shared>>)
    %rem3A_164 = arith.constant 123 : i32
    %rem3A_165 = arith.constant 4 : i32
    %rem3A_166 = arith.remsi %rem3A_164, %rem3A_165 : i32
    %dma_wait3A_167 = arith.constant 0 : i32
    %dma_wait3A_168 = arith.constant 0 : i32
    %dma_wait3A_169 = tpu.memref_slice %arg7[%rem3A_166, %dma_wait3A_167, %dma_wait3A_168] : memref<4x80x128xf32, #tpu.memory_space<vmem>> -> memref<1x80x128xf32, #tpu.memory_space<vmem>>
    %dma_wait3A_170 = tpu.memref_squeeze %dma_wait3A_169 : memref<1x80x128xf32, #tpu.memory_space<vmem>> -> memref<80x128xf32, #tpu.memory_space<vmem>>
    %dma_wait3A_171 = arith.constant 0 : i32
    %dma_wait3A_172 = tpu.memref_slice %arg6[%rem3A_166, %dma_wait3A_171] : memref<4x80xi32, #tpu.memory_space<vmem>> -> memref<1x80xi32, #tpu.memory_space<vmem>>
    %dma_wait3A_173 = tpu.memref_squeeze %dma_wait3A_172 : memref<1x80xi32, #tpu.memory_space<vmem>> -> memref<80xi32, #tpu.memory_space<vmem>>
    %dma_wait3A_174 = arith.constant 0 : i32
    %dma_wait3A_175 = arith.constant 0 : i32
    %dma_wait3A_176 = tpu.memref_slice %arg8[%dma_wait3A_174, %dma_wait3A_175] : memref<10240x128xf32, #tpu.memory_space<vmem_shared>> -> memref<10240x128xf32, #tpu.memory_space<vmem_shared>>
    %dma_wait3A_177 = tpu.memref_slice %arg10[%rem3A_166] : memref<4x!tpu.dma_semaphore, #tpu.memory_space<semaphore_mem>> -> memref<1x!tpu.dma_semaphore, #tpu.memory_space<semaphore_mem>>
    %dma_wait3A_178 = tpu.memref_squeeze %dma_wait3A_177 : memref<1x!tpu.dma_semaphore, #tpu.memory_space<semaphore_mem>> -> memref<!tpu.dma_semaphore, #tpu.memory_space<semaphore_mem>>
    tpu.wait_indirect_dma semaphore(%dma_wait3A_178 : memref<!tpu.dma_semaphore, #tpu.memory_space<semaphore_mem>>) src(%dma_wait3A_170 : memref<80x128xf32, #tpu.memory_space<vmem>>) dst(%dma_wait3A_176 : memref<10240x128xf32, #tpu.memory_space<vmem_shared>>)
    %rem3A_179 = arith.constant 124 : i32
    %rem3A_180 = arith.constant 4 : i32
    %rem3A_181 = arith.remsi %rem3A_179, %rem3A_180 : i32
    %dma_wait3A_182 = arith.constant 0 : i32
    %dma_wait3A_183 = arith.constant 0 : i32
    %dma_wait3A_184 = tpu.memref_slice %arg7[%rem3A_181, %dma_wait3A_182, %dma_wait3A_183] : memref<4x80x128xf32, #tpu.memory_space<vmem>> -> memref<1x80x128xf32, #tpu.memory_space<vmem>>
    %dma_wait3A_185 = tpu.memref_squeeze %dma_wait3A_184 : memref<1x80x128xf32, #tpu.memory_space<vmem>> -> memref<80x128xf32, #tpu.memory_space<vmem>>
    %dma_wait3A_186 = arith.constant 0 : i32
    %dma_wait3A_187 = tpu.memref_slice %arg6[%rem3A_181, %dma_wait3A_186] : memref<4x80xi32, #tpu.memory_space<vmem>> -> memref<1x80xi32, #tpu.memory_space<vmem>>
    %dma_wait3A_188 = tpu.memref_squeeze %dma_wait3A_187 : memref<1x80xi32, #tpu.memory_space<vmem>> -> memref<80xi32, #tpu.memory_space<vmem>>
    %dma_wait3A_189 = arith.constant 0 : i32
    %dma_wait3A_190 = arith.constant 0 : i32
    %dma_wait3A_191 = tpu.memref_slice %arg8[%dma_wait3A_189, %dma_wait3A_190] : memref<10240x128xf32, #tpu.memory_space<vmem_shared>> -> memref<10240x128xf32, #tpu.memory_space<vmem_shared>>
    %dma_wait3A_192 = tpu.memref_slice %arg10[%rem3A_181] : memref<4x!tpu.dma_semaphore, #tpu.memory_space<semaphore_mem>> -> memref<1x!tpu.dma_semaphore, #tpu.memory_space<semaphore_mem>>
    %dma_wait3A_193 = tpu.memref_squeeze %dma_wait3A_192 : memref<1x!tpu.dma_semaphore, #tpu.memory_space<semaphore_mem>> -> memref<!tpu.dma_semaphore, #tpu.memory_space<semaphore_mem>>
    tpu.wait_indirect_dma semaphore(%dma_wait3A_193 : memref<!tpu.dma_semaphore, #tpu.memory_space<semaphore_mem>>) src(%dma_wait3A_185 : memref<80x128xf32, #tpu.memory_space<vmem>>) dst(%dma_wait3A_191 : memref<10240x128xf32, #tpu.memory_space<vmem_shared>>)
    %barrier3A_194 = arith.constant 0 : index
    tpu.barrier barrier_id(%barrier3A_194)
    %lt3A = arith.constant 15 : i32
    %lt3A_195 = arith.cmpi slt, %arg1, %lt3A : i32
    %convert_element_type3A = arith.extui %lt3A_195 : i1 to i32
    %cond3A = arith.constant 0 : i32
    %cond3A_196 = arith.cmpi ne, %convert_element_type3A, %cond3A : i32
    scf.if %cond3A_196 {
      %mul3A_201 = arith.constant 640 : i32
      %mul3A_202 = arith.muli %arg1, %mul3A_201 : i32
      %mul3A_203 = arith.constant 640 : i32
      %mul3A_204 = arith.muli %arg1, %mul3A_203 : i32
      "tpu.region"() ({
        %run_scoped3A = tpu.sem_alloc : memref<!tpu.dma_semaphore, #tpu.memory_space<semaphore_mem>>
        %dma_start3A_205 = tpu.memref_slice %arg5[%mul3A_204, %multiple_of3A] : memref<10000x256xf32, #tpu.memory_space<hbm>> -> memref<640x128xf32, #tpu.memory_space<hbm>>
        %dma_start3A_206 = arith.constant 0 : i32
        %dma_start3A_207 = tpu.memref_slice %arg8[%mul3A_202, %dma_start3A_206] : memref<10240x128xf32, #tpu.memory_space<vmem_shared>> -> memref<640x128xf32, #tpu.memory_space<vmem_shared>>
        tpu.enqueue_dma source(%dma_start3A_207 : memref<640x128xf32, #tpu.memory_space<vmem_shared>>) target(%dma_start3A_205 : memref<640x128xf32, #tpu.memory_space<hbm>>) target_semaphore(%run_scoped3A : memref<!tpu.dma_semaphore, #tpu.memory_space<semaphore_mem>>)
        %dma_wait3A_208 = tpu.memref_slice %arg5[%mul3A_204, %multiple_of3A] : memref<10000x256xf32, #tpu.memory_space<hbm>> -> memref<640x128xf32, #tpu.memory_space<hbm>>
        %dma_wait3A_209 = arith.constant 0 : i32
        %dma_wait3A_210 = tpu.memref_slice %arg8[%mul3A_202, %dma_wait3A_209] : memref<10240x128xf32, #tpu.memory_space<vmem_shared>> -> memref<640x128xf32, #tpu.memory_space<vmem_shared>>
        tpu.wait_dma2 semaphore(%run_scoped3A : memref<!tpu.dma_semaphore, #tpu.memory_space<semaphore_mem>>) src(%dma_wait3A_210 : memref<640x128xf32, #tpu.memory_space<vmem_shared>>) dst(%dma_wait3A_208 : memref<640x128xf32, #tpu.memory_space<hbm>>)
        tpu.yield
      }) : () -> ()
    } else {
    }
    %eq3A = arith.constant 15 : i32
    %eq3A_197 = arith.cmpi eq, %arg1, %eq3A : i32
    %convert_element_type3A_198 = arith.extui %eq3A_197 : i1 to i32
    %cond3A_199 = arith.constant 0 : i32
    %cond3A_200 = arith.cmpi ne, %convert_element_type3A_198, %cond3A_199 : i32
    scf.if %cond3A_200 {
      "tpu.region"() ({
        %run_scoped3A = tpu.sem_alloc : memref<!tpu.dma_semaphore, #tpu.memory_space<semaphore_mem>>
        %dma_start3A_201 = arith.constant 9600 : i32
        %dma_start3A_202 = tpu.memref_slice %arg5[%dma_start3A_201, %multiple_of3A] : memref<10000x256xf32, #tpu.memory_space<hbm>> -> memref<400x128xf32, #tpu.memory_space<hbm>>
        %dma_start3A_203 = arith.constant 9600 : i32
        %dma_start3A_204 = arith.constant 0 : i32
        %dma_start3A_205 = tpu.memref_slice %arg8[%dma_start3A_203, %dma_start3A_204] : memref<10240x128xf32, #tpu.memory_space<vmem_shared>> -> memref<400x128xf32, #tpu.memory_space<vmem_shared>>
        tpu.enqueue_dma source(%dma_start3A_205 : memref<400x128xf32, #tpu.memory_space<vmem_shared>>) target(%dma_start3A_202 : memref<400x128xf32, #tpu.memory_space<hbm>>) target_semaphore(%run_scoped3A : memref<!tpu.dma_semaphore, #tpu.memory_space<semaphore_mem>>)
        %dma_wait3A_206 = arith.constant 9600 : i32
        %dma_wait3A_207 = tpu.memref_slice %arg5[%dma_wait3A_206, %multiple_of3A] : memref<10000x256xf32, #tpu.memory_space<hbm>> -> memref<400x128xf32, #tpu.memory_space<hbm>>
        %dma_wait3A_208 = arith.constant 9600 : i32
        %dma_wait3A_209 = arith.constant 0 : i32
        %dma_wait3A_210 = tpu.memref_slice %arg8[%dma_wait3A_208, %dma_wait3A_209] : memref<10240x128xf32, #tpu.memory_space<vmem_shared>> -> memref<400x128xf32, #tpu.memory_space<vmem_shared>>
        tpu.wait_dma2 semaphore(%run_scoped3A : memref<!tpu.dma_semaphore, #tpu.memory_space<semaphore_mem>>) src(%dma_wait3A_210 : memref<400x128xf32, #tpu.memory_space<vmem_shared>>) dst(%dma_wait3A_207 : memref<400x128xf32, #tpu.memory_space<hbm>>)
        tpu.yield
      }) : () -> ()
    } else {
    }
    return
  }
}

#map = affine_map<(d0, d1) -> (0, 0)>
#map1 = affine_map<(d0, d1) -> (0)>
module attributes {stable_mosaic.version = 14 : i64} {
  func.func @k(%arg0: i32, %arg1: i32, %arg2: memref<10000x128xi32, #tpu.memory_space<hbm>>, %arg3: memref<160000xi32, #tpu.memory_space<hbm>>, %arg4: memref<160000xi32, #tpu.memory_space<hbm>>, %arg5: memref<160000x128xi32, #tpu.memory_space<hbm>>, %arg6: memref<160000x128xi32, #tpu.memory_space<hbm>>, %arg7: memref<5000xi32, #tpu.memory_space<vmem>>, %arg8: memref<5000xi32, #tpu.memory_space<vmem>>, %arg9: memref<4x200x128xi32, #tpu.memory_space<vmem>>, %arg10: memref<4x!tpu.dma_semaphore, #tpu.memory_space<semaphore_mem>>, %arg11: memref<4x!tpu.dma_semaphore, #tpu.memory_space<semaphore_mem>>) attributes {dimension_semantics = [#tpu.dimension_semantics<core_parallel>, #tpu.dimension_semantics<subcore_parallel>], iteration_bounds = array<i64: 2, 16>, scalar_prefetch = 0 : i64, scratch_operands = 5 : i64, tpu.core_type = #tpu.core_type<sc_vector_subcore>, window_params = [{transform_indices = #map}, {transform_indices = #map1}, {transform_indices = #map1}, {transform_indices = #map}, {transform_indices = #map}]} {
    %mul3A = arith.constant 2 : i32
    %mul3A_0 = arith.muli %arg1, %mul3A : i32
    %add3A = arith.addi %mul3A_0, %arg0 : i32
    %mul3A_1 = arith.constant 5000 : i32
    %mul3A_2 = arith.muli %add3A, %mul3A_1 : i32
    "tpu.region"() ({
      %run_scoped3A = tpu.sem_alloc : memref<!tpu.dma_semaphore, #tpu.memory_space<semaphore_mem>>
      %dma_start3A_275 = tpu.memref_slice %arg3[%mul3A_2] : memref<160000xi32, #tpu.memory_space<hbm>> -> memref<5000xi32, #tpu.memory_space<hbm>>
      %dma_start3A_276 = tpu.memref_slice %arg3[%mul3A_2] : memref<160000xi32, #tpu.memory_space<hbm>> -> memref<5000xi32, #tpu.memory_space<hbm>>
      tpu.enqueue_dma source(%dma_start3A_276 : memref<5000xi32, #tpu.memory_space<hbm>>) target(%arg7 : memref<5000xi32, #tpu.memory_space<vmem>>) target_semaphore(%run_scoped3A : memref<!tpu.dma_semaphore, #tpu.memory_space<semaphore_mem>>)
      %dma_wait3A_277 = tpu.memref_slice %arg3[%mul3A_2] : memref<160000xi32, #tpu.memory_space<hbm>> -> memref<5000xi32, #tpu.memory_space<hbm>>
      %dma_wait3A_278 = tpu.memref_slice %arg3[%mul3A_2] : memref<160000xi32, #tpu.memory_space<hbm>> -> memref<5000xi32, #tpu.memory_space<hbm>>
      tpu.wait_dma2 semaphore(%run_scoped3A : memref<!tpu.dma_semaphore, #tpu.memory_space<semaphore_mem>>) src(%dma_wait3A_278 : memref<5000xi32, #tpu.memory_space<hbm>>) dst(%arg7 : memref<5000xi32, #tpu.memory_space<vmem>>)
      tpu.yield
    }) : () -> ()
    "tpu.region"() ({
      %run_scoped3A = tpu.sem_alloc : memref<!tpu.dma_semaphore, #tpu.memory_space<semaphore_mem>>
      %dma_start3A_275 = tpu.memref_slice %arg4[%mul3A_2] : memref<160000xi32, #tpu.memory_space<hbm>> -> memref<5000xi32, #tpu.memory_space<hbm>>
      %dma_start3A_276 = tpu.memref_slice %arg4[%mul3A_2] : memref<160000xi32, #tpu.memory_space<hbm>> -> memref<5000xi32, #tpu.memory_space<hbm>>
      tpu.enqueue_dma source(%dma_start3A_276 : memref<5000xi32, #tpu.memory_space<hbm>>) target(%arg8 : memref<5000xi32, #tpu.memory_space<vmem>>) target_semaphore(%run_scoped3A : memref<!tpu.dma_semaphore, #tpu.memory_space<semaphore_mem>>)
      %dma_wait3A_277 = tpu.memref_slice %arg4[%mul3A_2] : memref<160000xi32, #tpu.memory_space<hbm>> -> memref<5000xi32, #tpu.memory_space<hbm>>
      %dma_wait3A_278 = tpu.memref_slice %arg4[%mul3A_2] : memref<160000xi32, #tpu.memory_space<hbm>> -> memref<5000xi32, #tpu.memory_space<hbm>>
      tpu.wait_dma2 semaphore(%run_scoped3A : memref<!tpu.dma_semaphore, #tpu.memory_space<semaphore_mem>>) src(%dma_wait3A_278 : memref<5000xi32, #tpu.memory_space<hbm>>) dst(%arg8 : memref<5000xi32, #tpu.memory_space<vmem>>)
      tpu.yield
    }) : () -> ()
    %rem3A = arith.constant 0 : i32
    %rem3A_3 = arith.constant 4 : i32
    %rem3A_4 = arith.remsi %rem3A, %rem3A_3 : i32
    %dma_start3A = arith.constant 0 : i32
    %dma_start3A_5 = arith.constant 0 : i32
    %dma_start3A_6 = tpu.memref_slice %arg9[%rem3A_4, %dma_start3A, %dma_start3A_5] : memref<4x200x128xi32, #tpu.memory_space<vmem>> -> memref<1x200x128xi32, #tpu.memory_space<vmem>>
    %dma_start3A_7 = tpu.memref_squeeze %dma_start3A_6 : memref<1x200x128xi32, #tpu.memory_space<vmem>> -> memref<200x128xi32, #tpu.memory_space<vmem>>
    %dma_start3A_8 = arith.constant 0 : i32
    %dma_start3A_9 = tpu.memref_slice %arg7[%dma_start3A_8] : memref<5000xi32, #tpu.memory_space<vmem>> -> memref<200xi32, #tpu.memory_space<vmem>>
    %dma_start3A_10 = arith.constant 0 : i32
    %dma_start3A_11 = arith.constant 0 : i32
    %dma_start3A_12 = tpu.memref_slice %arg2[%dma_start3A_10, %dma_start3A_11] : memref<10000x128xi32, #tpu.memory_space<hbm>> -> memref<10000x128xi32, #tpu.memory_space<hbm>>
    %dma_start3A_13 = tpu.memref_slice %arg10[%rem3A_4] : memref<4x!tpu.dma_semaphore, #tpu.memory_space<semaphore_mem>> -> memref<1x!tpu.dma_semaphore, #tpu.memory_space<semaphore_mem>>
    %dma_start3A_14 = tpu.memref_squeeze %dma_start3A_13 : memref<1x!tpu.dma_semaphore, #tpu.memory_space<semaphore_mem>> -> memref<!tpu.dma_semaphore, #tpu.memory_space<semaphore_mem>>
    tpu.enqueue_indirect_dma source(%dma_start3A_12 : memref<10000x128xi32, #tpu.memory_space<hbm>>) target(%dma_start3A_7 : memref<200x128xi32, #tpu.memory_space<vmem>>) offsets(%dma_start3A_9 : memref<200xi32, #tpu.memory_space<vmem>>) semaphore(%dma_start3A_14 : memref<!tpu.dma_semaphore, #tpu.memory_space<semaphore_mem>>)
    %rem3A_15 = arith.constant 1 : i32
    %rem3A_16 = arith.constant 4 : i32
    %rem3A_17 = arith.remsi %rem3A_15, %rem3A_16 : i32
    %dma_start3A_18 = arith.constant 0 : i32
    %dma_start3A_19 = arith.constant 0 : i32
    %dma_start3A_20 = tpu.memref_slice %arg9[%rem3A_17, %dma_start3A_18, %dma_start3A_19] : memref<4x200x128xi32, #tpu.memory_space<vmem>> -> memref<1x200x128xi32, #tpu.memory_space<vmem>>
    %dma_start3A_21 = tpu.memref_squeeze %dma_start3A_20 : memref<1x200x128xi32, #tpu.memory_space<vmem>> -> memref<200x128xi32, #tpu.memory_space<vmem>>
    %dma_start3A_22 = arith.constant 200 : i32
    %dma_start3A_23 = tpu.memref_slice %arg7[%dma_start3A_22] : memref<5000xi32, #tpu.memory_space<vmem>> -> memref<200xi32, #tpu.memory_space<vmem>>
    %dma_start3A_24 = arith.constant 0 : i32
    %dma_start3A_25 = arith.constant 0 : i32
    %dma_start3A_26 = tpu.memref_slice %arg2[%dma_start3A_24, %dma_start3A_25] : memref<10000x128xi32, #tpu.memory_space<hbm>> -> memref<10000x128xi32, #tpu.memory_space<hbm>>
    %dma_start3A_27 = tpu.memref_slice %arg10[%rem3A_17] : memref<4x!tpu.dma_semaphore, #tpu.memory_space<semaphore_mem>> -> memref<1x!tpu.dma_semaphore, #tpu.memory_space<semaphore_mem>>
    %dma_start3A_28 = tpu.memref_squeeze %dma_start3A_27 : memref<1x!tpu.dma_semaphore, #tpu.memory_space<semaphore_mem>> -> memref<!tpu.dma_semaphore, #tpu.memory_space<semaphore_mem>>
    tpu.enqueue_indirect_dma source(%dma_start3A_26 : memref<10000x128xi32, #tpu.memory_space<hbm>>) target(%dma_start3A_21 : memref<200x128xi32, #tpu.memory_space<vmem>>) offsets(%dma_start3A_23 : memref<200xi32, #tpu.memory_space<vmem>>) semaphore(%dma_start3A_28 : memref<!tpu.dma_semaphore, #tpu.memory_space<semaphore_mem>>)
    %rem3A_29 = arith.constant 2 : i32
    %rem3A_30 = arith.constant 4 : i32
    %rem3A_31 = arith.remsi %rem3A_29, %rem3A_30 : i32
    %dma_start3A_32 = arith.constant 0 : i32
    %dma_start3A_33 = arith.constant 0 : i32
    %dma_start3A_34 = tpu.memref_slice %arg9[%rem3A_31, %dma_start3A_32, %dma_start3A_33] : memref<4x200x128xi32, #tpu.memory_space<vmem>> -> memref<1x200x128xi32, #tpu.memory_space<vmem>>
    %dma_start3A_35 = tpu.memref_squeeze %dma_start3A_34 : memref<1x200x128xi32, #tpu.memory_space<vmem>> -> memref<200x128xi32, #tpu.memory_space<vmem>>
    %dma_start3A_36 = arith.constant 400 : i32
    %dma_start3A_37 = tpu.memref_slice %arg7[%dma_start3A_36] : memref<5000xi32, #tpu.memory_space<vmem>> -> memref<200xi32, #tpu.memory_space<vmem>>
    %dma_start3A_38 = arith.constant 0 : i32
    %dma_start3A_39 = arith.constant 0 : i32
    %dma_start3A_40 = tpu.memref_slice %arg2[%dma_start3A_38, %dma_start3A_39] : memref<10000x128xi32, #tpu.memory_space<hbm>> -> memref<10000x128xi32, #tpu.memory_space<hbm>>
    %dma_start3A_41 = tpu.memref_slice %arg10[%rem3A_31] : memref<4x!tpu.dma_semaphore, #tpu.memory_space<semaphore_mem>> -> memref<1x!tpu.dma_semaphore, #tpu.memory_space<semaphore_mem>>
    %dma_start3A_42 = tpu.memref_squeeze %dma_start3A_41 : memref<1x!tpu.dma_semaphore, #tpu.memory_space<semaphore_mem>> -> memref<!tpu.dma_semaphore, #tpu.memory_space<semaphore_mem>>
    tpu.enqueue_indirect_dma source(%dma_start3A_40 : memref<10000x128xi32, #tpu.memory_space<hbm>>) target(%dma_start3A_35 : memref<200x128xi32, #tpu.memory_space<vmem>>) offsets(%dma_start3A_37 : memref<200xi32, #tpu.memory_space<vmem>>) semaphore(%dma_start3A_42 : memref<!tpu.dma_semaphore, #tpu.memory_space<semaphore_mem>>)
    %rem3A_43 = arith.constant 3 : i32
    %rem3A_44 = arith.constant 4 : i32
    %rem3A_45 = arith.remsi %rem3A_43, %rem3A_44 : i32
    %dma_start3A_46 = arith.constant 0 : i32
    %dma_start3A_47 = arith.constant 0 : i32
    %dma_start3A_48 = tpu.memref_slice %arg9[%rem3A_45, %dma_start3A_46, %dma_start3A_47] : memref<4x200x128xi32, #tpu.memory_space<vmem>> -> memref<1x200x128xi32, #tpu.memory_space<vmem>>
    %dma_start3A_49 = tpu.memref_squeeze %dma_start3A_48 : memref<1x200x128xi32, #tpu.memory_space<vmem>> -> memref<200x128xi32, #tpu.memory_space<vmem>>
    %dma_start3A_50 = arith.constant 600 : i32
    %dma_start3A_51 = tpu.memref_slice %arg7[%dma_start3A_50] : memref<5000xi32, #tpu.memory_space<vmem>> -> memref<200xi32, #tpu.memory_space<vmem>>
    %dma_start3A_52 = arith.constant 0 : i32
    %dma_start3A_53 = arith.constant 0 : i32
    %dma_start3A_54 = tpu.memref_slice %arg2[%dma_start3A_52, %dma_start3A_53] : memref<10000x128xi32, #tpu.memory_space<hbm>> -> memref<10000x128xi32, #tpu.memory_space<hbm>>
    %dma_start3A_55 = tpu.memref_slice %arg10[%rem3A_45] : memref<4x!tpu.dma_semaphore, #tpu.memory_space<semaphore_mem>> -> memref<1x!tpu.dma_semaphore, #tpu.memory_space<semaphore_mem>>
    %dma_start3A_56 = tpu.memref_squeeze %dma_start3A_55 : memref<1x!tpu.dma_semaphore, #tpu.memory_space<semaphore_mem>> -> memref<!tpu.dma_semaphore, #tpu.memory_space<semaphore_mem>>
    tpu.enqueue_indirect_dma source(%dma_start3A_54 : memref<10000x128xi32, #tpu.memory_space<hbm>>) target(%dma_start3A_49 : memref<200x128xi32, #tpu.memory_space<vmem>>) offsets(%dma_start3A_51 : memref<200xi32, #tpu.memory_space<vmem>>) semaphore(%dma_start3A_56 : memref<!tpu.dma_semaphore, #tpu.memory_space<semaphore_mem>>)
    %scan3A = arith.constant 0 : i32
    %scan3A_57 = arith.constant 0 : i32
    %scan3A_58 = arith.constant 25 : i32
    %scan3A_59 = arith.addi %scan3A_57, %scan3A_58 : i32
    %scan3A_60 = arith.constant 1 : i32
    scf.for %scan3A_275 = %scan3A_57 to %scan3A_59 step %scan3A_60  : i32 {
      %rem3A_276 = arith.constant 4 : i32
      %rem3A_277 = arith.remsi %scan3A_275, %rem3A_276 : i32
      %mul3A_278 = arith.constant 200 : i32
      %mul3A_279 = arith.muli %scan3A_275, %mul3A_278 : i32
      %dma_wait3A_280 = arith.constant 0 : i32
      %dma_wait3A_281 = arith.constant 0 : i32
      %dma_wait3A_282 = tpu.memref_slice %arg9[%rem3A_277, %dma_wait3A_280, %dma_wait3A_281] : memref<4x200x128xi32, #tpu.memory_space<vmem>> -> memref<1x200x128xi32, #tpu.memory_space<vmem>>
      %dma_wait3A_283 = tpu.memref_squeeze %dma_wait3A_282 : memref<1x200x128xi32, #tpu.memory_space<vmem>> -> memref<200x128xi32, #tpu.memory_space<vmem>>
      %dma_wait3A_284 = tpu.memref_slice %arg7[%mul3A_279] : memref<5000xi32, #tpu.memory_space<vmem>> -> memref<200xi32, #tpu.memory_space<vmem>>
      %dma_wait3A_285 = arith.constant 0 : i32
      %dma_wait3A_286 = arith.constant 0 : i32
      %dma_wait3A_287 = tpu.memref_slice %arg2[%dma_wait3A_285, %dma_wait3A_286] : memref<10000x128xi32, #tpu.memory_space<hbm>> -> memref<10000x128xi32, #tpu.memory_space<hbm>>
      %dma_wait3A_288 = tpu.memref_slice %arg10[%rem3A_277] : memref<4x!tpu.dma_semaphore, #tpu.memory_space<semaphore_mem>> -> memref<1x!tpu.dma_semaphore, #tpu.memory_space<semaphore_mem>>
      %dma_wait3A_289 = tpu.memref_squeeze %dma_wait3A_288 : memref<1x!tpu.dma_semaphore, #tpu.memory_space<semaphore_mem>> -> memref<!tpu.dma_semaphore, #tpu.memory_space<semaphore_mem>>
      tpu.wait_indirect_dma semaphore(%dma_wait3A_289 : memref<!tpu.dma_semaphore, #tpu.memory_space<semaphore_mem>>) src(%dma_wait3A_287 : memref<10000x128xi32, #tpu.memory_space<hbm>>) dst(%dma_wait3A_283 : memref<200x128xi32, #tpu.memory_space<vmem>>)
      %rem3A_290 = arith.constant 4 : i32
      %rem3A_291 = arith.remsi %scan3A_275, %rem3A_290 : i32
      %mul3A_292 = arith.constant 200 : i32
      %mul3A_293 = arith.muli %scan3A_275, %mul3A_292 : i32
      %add3A_294 = arith.addi %mul3A_2, %mul3A_293 : i32
      %dma_start3A_295 = arith.constant 0 : i32
      %dma_start3A_296 = arith.constant 0 : i32
      %dma_start3A_297 = tpu.memref_slice %arg9[%rem3A_291, %dma_start3A_295, %dma_start3A_296] : memref<4x200x128xi32, #tpu.memory_space<vmem>> -> memref<1x200x128xi32, #tpu.memory_space<vmem>>
      %dma_start3A_298 = tpu.memref_squeeze %dma_start3A_297 : memref<1x200x128xi32, #tpu.memory_space<vmem>> -> memref<200x128xi32, #tpu.memory_space<vmem>>
      %dma_start3A_299 = arith.constant 0 : i32
      %dma_start3A_300 = tpu.memref_slice %arg5[%add3A_294, %dma_start3A_299] : memref<160000x128xi32, #tpu.memory_space<hbm>> -> memref<200x128xi32, #tpu.memory_space<hbm>>
      %dma_start3A_301 = tpu.memref_slice %arg11[%rem3A_291] : memref<4x!tpu.dma_semaphore, #tpu.memory_space<semaphore_mem>> -> memref<1x!tpu.dma_semaphore, #tpu.memory_space<semaphore_mem>>
      %dma_start3A_302 = tpu.memref_squeeze %dma_start3A_301 : memref<1x!tpu.dma_semaphore, #tpu.memory_space<semaphore_mem>> -> memref<!tpu.dma_semaphore, #tpu.memory_space<semaphore_mem>>
      %dma_start3A_303 = arith.constant 0 : i32
      %dma_start3A_304 = tpu.memref_slice %arg5[%add3A_294, %dma_start3A_303] : memref<160000x128xi32, #tpu.memory_space<hbm>> -> memref<200x128xi32, #tpu.memory_space<hbm>>
      %dma_start3A_305 = arith.constant 0 : i32
      %dma_start3A_306 = arith.constant 0 : i32
      %dma_start3A_307 = tpu.memref_slice %arg9[%rem3A_291, %dma_start3A_305, %dma_start3A_306] : memref<4x200x128xi32, #tpu.memory_space<vmem>> -> memref<1x200x128xi32, #tpu.memory_space<vmem>>
      %dma_start3A_308 = tpu.memref_squeeze %dma_start3A_307 : memref<1x200x128xi32, #tpu.memory_space<vmem>> -> memref<200x128xi32, #tpu.memory_space<vmem>>
      tpu.enqueue_dma source(%dma_start3A_308 : memref<200x128xi32, #tpu.memory_space<vmem>>) target(%dma_start3A_304 : memref<200x128xi32, #tpu.memory_space<hbm>>) target_semaphore(%dma_start3A_302 : memref<!tpu.dma_semaphore, #tpu.memory_space<semaphore_mem>>)
      %ge3A = arith.constant 1 : i32
      %ge3A_309 = arith.cmpi sge, %scan3A_275, %ge3A : i32
      %add3A_310 = arith.constant 4 : i32
      %add3A_311 = arith.addi %scan3A_275, %add3A_310 : i32
      %sub3A = arith.constant 1 : i32
      %sub3A_312 = arith.subi %add3A_311, %sub3A : i32
      %lt3A = arith.constant 25 : i32
      %lt3A_313 = arith.cmpi slt, %sub3A_312, %lt3A : i32
      %and3A = arith.andi %ge3A_309, %lt3A_313 : i1
      %convert_element_type3A = arith.extui %and3A : i1 to i32
      %cond3A = arith.constant 0 : i32
      %cond3A_314 = arith.cmpi ne, %convert_element_type3A, %cond3A : i32
      scf.if %cond3A_314 {
        %sub3A_315 = arith.constant 1 : i32
        %sub3A_316 = arith.subi %scan3A_275, %sub3A_315 : i32
        %rem3A_317 = arith.constant 4 : i32
        %rem3A_318 = arith.remsi %sub3A_316, %rem3A_317 : i32
        %mul3A_319 = arith.constant 200 : i32
        %mul3A_320 = arith.muli %sub3A_316, %mul3A_319 : i32
        %add3A_321 = arith.addi %mul3A_2, %mul3A_320 : i32
        %dma_wait3A_322 = arith.constant 0 : i32
        %dma_wait3A_323 = arith.constant 0 : i32
        %dma_wait3A_324 = tpu.memref_slice %arg9[%rem3A_318, %dma_wait3A_322, %dma_wait3A_323] : memref<4x200x128xi32, #tpu.memory_space<vmem>> -> memref<1x200x128xi32, #tpu.memory_space<vmem>>
        %dma_wait3A_325 = tpu.memref_squeeze %dma_wait3A_324 : memref<1x200x128xi32, #tpu.memory_space<vmem>> -> memref<200x128xi32, #tpu.memory_space<vmem>>
        %dma_wait3A_326 = arith.constant 0 : i32
        %dma_wait3A_327 = tpu.memref_slice %arg5[%add3A_321, %dma_wait3A_326] : memref<160000x128xi32, #tpu.memory_space<hbm>> -> memref<200x128xi32, #tpu.memory_space<hbm>>
        %dma_wait3A_328 = tpu.memref_slice %arg11[%rem3A_318] : memref<4x!tpu.dma_semaphore, #tpu.memory_space<semaphore_mem>> -> memref<1x!tpu.dma_semaphore, #tpu.memory_space<semaphore_mem>>
        %dma_wait3A_329 = tpu.memref_squeeze %dma_wait3A_328 : memref<1x!tpu.dma_semaphore, #tpu.memory_space<semaphore_mem>> -> memref<!tpu.dma_semaphore, #tpu.memory_space<semaphore_mem>>
        %dma_wait3A_330 = arith.constant 0 : i32
        %dma_wait3A_331 = tpu.memref_slice %arg5[%add3A_321, %dma_wait3A_330] : memref<160000x128xi32, #tpu.memory_space<hbm>> -> memref<200x128xi32, #tpu.memory_space<hbm>>
        %dma_wait3A_332 = arith.constant 0 : i32
        %dma_wait3A_333 = arith.constant 0 : i32
        %dma_wait3A_334 = tpu.memref_slice %arg9[%rem3A_318, %dma_wait3A_332, %dma_wait3A_333] : memref<4x200x128xi32, #tpu.memory_space<vmem>> -> memref<1x200x128xi32, #tpu.memory_space<vmem>>
        %dma_wait3A_335 = tpu.memref_squeeze %dma_wait3A_334 : memref<1x200x128xi32, #tpu.memory_space<vmem>> -> memref<200x128xi32, #tpu.memory_space<vmem>>
        tpu.wait_dma2 semaphore(%dma_wait3A_329 : memref<!tpu.dma_semaphore, #tpu.memory_space<semaphore_mem>>) src(%dma_wait3A_335 : memref<200x128xi32, #tpu.memory_space<vmem>>) dst(%dma_wait3A_331 : memref<200x128xi32, #tpu.memory_space<hbm>>)
        %add3A_336 = arith.constant 4 : i32
        %add3A_337 = arith.addi %scan3A_275, %add3A_336 : i32
        %sub3A_338 = arith.constant 1 : i32
        %sub3A_339 = arith.subi %add3A_337, %sub3A_338 : i32
        %rem3A_340 = arith.constant 4 : i32
        %rem3A_341 = arith.remsi %sub3A_339, %rem3A_340 : i32
        %mul3A_342 = arith.constant 200 : i32
        %mul3A_343 = arith.muli %sub3A_339, %mul3A_342 : i32
        %dma_start3A_344 = arith.constant 0 : i32
        %dma_start3A_345 = arith.constant 0 : i32
        %dma_start3A_346 = tpu.memref_slice %arg9[%rem3A_341, %dma_start3A_344, %dma_start3A_345] : memref<4x200x128xi32, #tpu.memory_space<vmem>> -> memref<1x200x128xi32, #tpu.memory_space<vmem>>
        %dma_start3A_347 = tpu.memref_squeeze %dma_start3A_346 : memref<1x200x128xi32, #tpu.memory_space<vmem>> -> memref<200x128xi32, #tpu.memory_space<vmem>>
        %dma_start3A_348 = tpu.memref_slice %arg7[%mul3A_343] : memref<5000xi32, #tpu.memory_space<vmem>> -> memref<200xi32, #tpu.memory_space<vmem>>
        %dma_start3A_349 = arith.constant 0 : i32
        %dma_start3A_350 = arith.constant 0 : i32
        %dma_start3A_351 = tpu.memref_slice %arg2[%dma_start3A_349, %dma_start3A_350] : memref<10000x128xi32, #tpu.memory_space<hbm>> -> memref<10000x128xi32, #tpu.memory_space<hbm>>
        %dma_start3A_352 = tpu.memref_slice %arg10[%rem3A_341] : memref<4x!tpu.dma_semaphore, #tpu.memory_space<semaphore_mem>> -> memref<1x!tpu.dma_semaphore, #tpu.memory_space<semaphore_mem>>
        %dma_start3A_353 = tpu.memref_squeeze %dma_start3A_352 : memref<1x!tpu.dma_semaphore, #tpu.memory_space<semaphore_mem>> -> memref<!tpu.dma_semaphore, #tpu.memory_space<semaphore_mem>>
        tpu.enqueue_indirect_dma source(%dma_start3A_351 : memref<10000x128xi32, #tpu.memory_space<hbm>>) target(%dma_start3A_347 : memref<200x128xi32, #tpu.memory_space<vmem>>) offsets(%dma_start3A_348 : memref<200xi32, #tpu.memory_space<vmem>>) semaphore(%dma_start3A_353 : memref<!tpu.dma_semaphore, #tpu.memory_space<semaphore_mem>>)
      } else {
      }
    }
    %scan3A_61 = arith.constant 25 : i32
    %rem3A_62 = arith.constant 21 : i32
    %rem3A_63 = arith.constant 4 : i32
    %rem3A_64 = arith.remsi %rem3A_62, %rem3A_63 : i32
    %add3A_65 = arith.constant 4200 : i32
    %add3A_66 = arith.addi %mul3A_2, %add3A_65 : i32
    %dma_wait3A = arith.constant 0 : i32
    %dma_wait3A_67 = arith.constant 0 : i32
    %dma_wait3A_68 = tpu.memref_slice %arg9[%rem3A_64, %dma_wait3A, %dma_wait3A_67] : memref<4x200x128xi32, #tpu.memory_space<vmem>> -> memref<1x200x128xi32, #tpu.memory_space<vmem>>
    %dma_wait3A_69 = tpu.memref_squeeze %dma_wait3A_68 : memref<1x200x128xi32, #tpu.memory_space<vmem>> -> memref<200x128xi32, #tpu.memory_space<vmem>>
    %dma_wait3A_70 = arith.constant 0 : i32
    %dma_wait3A_71 = tpu.memref_slice %arg5[%add3A_66, %dma_wait3A_70] : memref<160000x128xi32, #tpu.memory_space<hbm>> -> memref<200x128xi32, #tpu.memory_space<hbm>>
    %dma_wait3A_72 = tpu.memref_slice %arg11[%rem3A_64] : memref<4x!tpu.dma_semaphore, #tpu.memory_space<semaphore_mem>> -> memref<1x!tpu.dma_semaphore, #tpu.memory_space<semaphore_mem>>
    %dma_wait3A_73 = tpu.memref_squeeze %dma_wait3A_72 : memref<1x!tpu.dma_semaphore, #tpu.memory_space<semaphore_mem>> -> memref<!tpu.dma_semaphore, #tpu.memory_space<semaphore_mem>>
    %dma_wait3A_74 = arith.constant 0 : i32
    %dma_wait3A_75 = tpu.memref_slice %arg5[%add3A_66, %dma_wait3A_74] : memref<160000x128xi32, #tpu.memory_space<hbm>> -> memref<200x128xi32, #tpu.memory_space<hbm>>
    %dma_wait3A_76 = arith.constant 0 : i32
    %dma_wait3A_77 = arith.constant 0 : i32
    %dma_wait3A_78 = tpu.memref_slice %arg9[%rem3A_64, %dma_wait3A_76, %dma_wait3A_77] : memref<4x200x128xi32, #tpu.memory_space<vmem>> -> memref<1x200x128xi32, #tpu.memory_space<vmem>>
    %dma_wait3A_79 = tpu.memref_squeeze %dma_wait3A_78 : memref<1x200x128xi32, #tpu.memory_space<vmem>> -> memref<200x128xi32, #tpu.memory_space<vmem>>
    tpu.wait_dma2 semaphore(%dma_wait3A_73 : memref<!tpu.dma_semaphore, #tpu.memory_space<semaphore_mem>>) src(%dma_wait3A_79 : memref<200x128xi32, #tpu.memory_space<vmem>>) dst(%dma_wait3A_75 : memref<200x128xi32, #tpu.memory_space<hbm>>)
    %rem3A_80 = arith.constant 22 : i32
    %rem3A_81 = arith.constant 4 : i32
    %rem3A_82 = arith.remsi %rem3A_80, %rem3A_81 : i32
    %add3A_83 = arith.constant 4400 : i32
    %add3A_84 = arith.addi %mul3A_2, %add3A_83 : i32
    %dma_wait3A_85 = arith.constant 0 : i32
    %dma_wait3A_86 = arith.constant 0 : i32
    %dma_wait3A_87 = tpu.memref_slice %arg9[%rem3A_82, %dma_wait3A_85, %dma_wait3A_86] : memref<4x200x128xi32, #tpu.memory_space<vmem>> -> memref<1x200x128xi32, #tpu.memory_space<vmem>>
    %dma_wait3A_88 = tpu.memref_squeeze %dma_wait3A_87 : memref<1x200x128xi32, #tpu.memory_space<vmem>> -> memref<200x128xi32, #tpu.memory_space<vmem>>
    %dma_wait3A_89 = arith.constant 0 : i32
    %dma_wait3A_90 = tpu.memref_slice %arg5[%add3A_84, %dma_wait3A_89] : memref<160000x128xi32, #tpu.memory_space<hbm>> -> memref<200x128xi32, #tpu.memory_space<hbm>>
    %dma_wait3A_91 = tpu.memref_slice %arg11[%rem3A_82] : memref<4x!tpu.dma_semaphore, #tpu.memory_space<semaphore_mem>> -> memref<1x!tpu.dma_semaphore, #tpu.memory_space<semaphore_mem>>
    %dma_wait3A_92 = tpu.memref_squeeze %dma_wait3A_91 : memref<1x!tpu.dma_semaphore, #tpu.memory_space<semaphore_mem>> -> memref<!tpu.dma_semaphore, #tpu.memory_space<semaphore_mem>>
    %dma_wait3A_93 = arith.constant 0 : i32
    %dma_wait3A_94 = tpu.memref_slice %arg5[%add3A_84, %dma_wait3A_93] : memref<160000x128xi32, #tpu.memory_space<hbm>> -> memref<200x128xi32, #tpu.memory_space<hbm>>
    %dma_wait3A_95 = arith.constant 0 : i32
    %dma_wait3A_96 = arith.constant 0 : i32
    %dma_wait3A_97 = tpu.memref_slice %arg9[%rem3A_82, %dma_wait3A_95, %dma_wait3A_96] : memref<4x200x128xi32, #tpu.memory_space<vmem>> -> memref<1x200x128xi32, #tpu.memory_space<vmem>>
    %dma_wait3A_98 = tpu.memref_squeeze %dma_wait3A_97 : memref<1x200x128xi32, #tpu.memory_space<vmem>> -> memref<200x128xi32, #tpu.memory_space<vmem>>
    tpu.wait_dma2 semaphore(%dma_wait3A_92 : memref<!tpu.dma_semaphore, #tpu.memory_space<semaphore_mem>>) src(%dma_wait3A_98 : memref<200x128xi32, #tpu.memory_space<vmem>>) dst(%dma_wait3A_94 : memref<200x128xi32, #tpu.memory_space<hbm>>)
    %rem3A_99 = arith.constant 23 : i32
    %rem3A_100 = arith.constant 4 : i32
    %rem3A_101 = arith.remsi %rem3A_99, %rem3A_100 : i32
    %add3A_102 = arith.constant 4600 : i32
    %add3A_103 = arith.addi %mul3A_2, %add3A_102 : i32
    %dma_wait3A_104 = arith.constant 0 : i32
    %dma_wait3A_105 = arith.constant 0 : i32
    %dma_wait3A_106 = tpu.memref_slice %arg9[%rem3A_101, %dma_wait3A_104, %dma_wait3A_105] : memref<4x200x128xi32, #tpu.memory_space<vmem>> -> memref<1x200x128xi32, #tpu.memory_space<vmem>>
    %dma_wait3A_107 = tpu.memref_squeeze %dma_wait3A_106 : memref<1x200x128xi32, #tpu.memory_space<vmem>> -> memref<200x128xi32, #tpu.memory_space<vmem>>
    %dma_wait3A_108 = arith.constant 0 : i32
    %dma_wait3A_109 = tpu.memref_slice %arg5[%add3A_103, %dma_wait3A_108] : memref<160000x128xi32, #tpu.memory_space<hbm>> -> memref<200x128xi32, #tpu.memory_space<hbm>>
    %dma_wait3A_110 = tpu.memref_slice %arg11[%rem3A_101] : memref<4x!tpu.dma_semaphore, #tpu.memory_space<semaphore_mem>> -> memref<1x!tpu.dma_semaphore, #tpu.memory_space<semaphore_mem>>
    %dma_wait3A_111 = tpu.memref_squeeze %dma_wait3A_110 : memref<1x!tpu.dma_semaphore, #tpu.memory_space<semaphore_mem>> -> memref<!tpu.dma_semaphore, #tpu.memory_space<semaphore_mem>>
    %dma_wait3A_112 = arith.constant 0 : i32
    %dma_wait3A_113 = tpu.memref_slice %arg5[%add3A_103, %dma_wait3A_112] : memref<160000x128xi32, #tpu.memory_space<hbm>> -> memref<200x128xi32, #tpu.memory_space<hbm>>
    %dma_wait3A_114 = arith.constant 0 : i32
    %dma_wait3A_115 = arith.constant 0 : i32
    %dma_wait3A_116 = tpu.memref_slice %arg9[%rem3A_101, %dma_wait3A_114, %dma_wait3A_115] : memref<4x200x128xi32, #tpu.memory_space<vmem>> -> memref<1x200x128xi32, #tpu.memory_space<vmem>>
    %dma_wait3A_117 = tpu.memref_squeeze %dma_wait3A_116 : memref<1x200x128xi32, #tpu.memory_space<vmem>> -> memref<200x128xi32, #tpu.memory_space<vmem>>
    tpu.wait_dma2 semaphore(%dma_wait3A_111 : memref<!tpu.dma_semaphore, #tpu.memory_space<semaphore_mem>>) src(%dma_wait3A_117 : memref<200x128xi32, #tpu.memory_space<vmem>>) dst(%dma_wait3A_113 : memref<200x128xi32, #tpu.memory_space<hbm>>)
    %rem3A_118 = arith.constant 24 : i32
    %rem3A_119 = arith.constant 4 : i32
    %rem3A_120 = arith.remsi %rem3A_118, %rem3A_119 : i32
    %add3A_121 = arith.constant 4800 : i32
    %add3A_122 = arith.addi %mul3A_2, %add3A_121 : i32
    %dma_wait3A_123 = arith.constant 0 : i32
    %dma_wait3A_124 = arith.constant 0 : i32
    %dma_wait3A_125 = tpu.memref_slice %arg9[%rem3A_120, %dma_wait3A_123, %dma_wait3A_124] : memref<4x200x128xi32, #tpu.memory_space<vmem>> -> memref<1x200x128xi32, #tpu.memory_space<vmem>>
    %dma_wait3A_126 = tpu.memref_squeeze %dma_wait3A_125 : memref<1x200x128xi32, #tpu.memory_space<vmem>> -> memref<200x128xi32, #tpu.memory_space<vmem>>
    %dma_wait3A_127 = arith.constant 0 : i32
    %dma_wait3A_128 = tpu.memref_slice %arg5[%add3A_122, %dma_wait3A_127] : memref<160000x128xi32, #tpu.memory_space<hbm>> -> memref<200x128xi32, #tpu.memory_space<hbm>>
    %dma_wait3A_129 = tpu.memref_slice %arg11[%rem3A_120] : memref<4x!tpu.dma_semaphore, #tpu.memory_space<semaphore_mem>> -> memref<1x!tpu.dma_semaphore, #tpu.memory_space<semaphore_mem>>
    %dma_wait3A_130 = tpu.memref_squeeze %dma_wait3A_129 : memref<1x!tpu.dma_semaphore, #tpu.memory_space<semaphore_mem>> -> memref<!tpu.dma_semaphore, #tpu.memory_space<semaphore_mem>>
    %dma_wait3A_131 = arith.constant 0 : i32
    %dma_wait3A_132 = tpu.memref_slice %arg5[%add3A_122, %dma_wait3A_131] : memref<160000x128xi32, #tpu.memory_space<hbm>> -> memref<200x128xi32, #tpu.memory_space<hbm>>
    %dma_wait3A_133 = arith.constant 0 : i32
    %dma_wait3A_134 = arith.constant 0 : i32
    %dma_wait3A_135 = tpu.memref_slice %arg9[%rem3A_120, %dma_wait3A_133, %dma_wait3A_134] : memref<4x200x128xi32, #tpu.memory_space<vmem>> -> memref<1x200x128xi32, #tpu.memory_space<vmem>>
    %dma_wait3A_136 = tpu.memref_squeeze %dma_wait3A_135 : memref<1x200x128xi32, #tpu.memory_space<vmem>> -> memref<200x128xi32, #tpu.memory_space<vmem>>
    tpu.wait_dma2 semaphore(%dma_wait3A_130 : memref<!tpu.dma_semaphore, #tpu.memory_space<semaphore_mem>>) src(%dma_wait3A_136 : memref<200x128xi32, #tpu.memory_space<vmem>>) dst(%dma_wait3A_132 : memref<200x128xi32, #tpu.memory_space<hbm>>)
    %rem3A_137 = arith.constant 0 : i32
    %rem3A_138 = arith.constant 4 : i32
    %rem3A_139 = arith.remsi %rem3A_137, %rem3A_138 : i32
    %dma_start3A_140 = arith.constant 0 : i32
    %dma_start3A_141 = arith.constant 0 : i32
    %dma_start3A_142 = tpu.memref_slice %arg9[%rem3A_139, %dma_start3A_140, %dma_start3A_141] : memref<4x200x128xi32, #tpu.memory_space<vmem>> -> memref<1x200x128xi32, #tpu.memory_space<vmem>>
    %dma_start3A_143 = tpu.memref_squeeze %dma_start3A_142 : memref<1x200x128xi32, #tpu.memory_space<vmem>> -> memref<200x128xi32, #tpu.memory_space<vmem>>
    %dma_start3A_144 = arith.constant 0 : i32
    %dma_start3A_145 = tpu.memref_slice %arg8[%dma_start3A_144] : memref<5000xi32, #tpu.memory_space<vmem>> -> memref<200xi32, #tpu.memory_space<vmem>>
    %dma_start3A_146 = arith.constant 0 : i32
    %dma_start3A_147 = arith.constant 0 : i32
    %dma_start3A_148 = tpu.memref_slice %arg2[%dma_start3A_146, %dma_start3A_147] : memref<10000x128xi32, #tpu.memory_space<hbm>> -> memref<10000x128xi32, #tpu.memory_space<hbm>>
    %dma_start3A_149 = tpu.memref_slice %arg10[%rem3A_139] : memref<4x!tpu.dma_semaphore, #tpu.memory_space<semaphore_mem>> -> memref<1x!tpu.dma_semaphore, #tpu.memory_space<semaphore_mem>>
    %dma_start3A_150 = tpu.memref_squeeze %dma_start3A_149 : memref<1x!tpu.dma_semaphore, #tpu.memory_space<semaphore_mem>> -> memref<!tpu.dma_semaphore, #tpu.memory_space<semaphore_mem>>
    tpu.enqueue_indirect_dma source(%dma_start3A_148 : memref<10000x128xi32, #tpu.memory_space<hbm>>) target(%dma_start3A_143 : memref<200x128xi32, #tpu.memory_space<vmem>>) offsets(%dma_start3A_145 : memref<200xi32, #tpu.memory_space<vmem>>) semaphore(%dma_start3A_150 : memref<!tpu.dma_semaphore, #tpu.memory_space<semaphore_mem>>)
    %rem3A_151 = arith.constant 1 : i32
    %rem3A_152 = arith.constant 4 : i32
    %rem3A_153 = arith.remsi %rem3A_151, %rem3A_152 : i32
    %dma_start3A_154 = arith.constant 0 : i32
    %dma_start3A_155 = arith.constant 0 : i32
    %dma_start3A_156 = tpu.memref_slice %arg9[%rem3A_153, %dma_start3A_154, %dma_start3A_155] : memref<4x200x128xi32, #tpu.memory_space<vmem>> -> memref<1x200x128xi32, #tpu.memory_space<vmem>>
    %dma_start3A_157 = tpu.memref_squeeze %dma_start3A_156 : memref<1x200x128xi32, #tpu.memory_space<vmem>> -> memref<200x128xi32, #tpu.memory_space<vmem>>
    %dma_start3A_158 = arith.constant 200 : i32
    %dma_start3A_159 = tpu.memref_slice %arg8[%dma_start3A_158] : memref<5000xi32, #tpu.memory_space<vmem>> -> memref<200xi32, #tpu.memory_space<vmem>>
    %dma_start3A_160 = arith.constant 0 : i32
    %dma_start3A_161 = arith.constant 0 : i32
    %dma_start3A_162 = tpu.memref_slice %arg2[%dma_start3A_160, %dma_start3A_161] : memref<10000x128xi32, #tpu.memory_space<hbm>> -> memref<10000x128xi32, #tpu.memory_space<hbm>>
    %dma_start3A_163 = tpu.memref_slice %arg10[%rem3A_153] : memref<4x!tpu.dma_semaphore, #tpu.memory_space<semaphore_mem>> -> memref<1x!tpu.dma_semaphore, #tpu.memory_space<semaphore_mem>>
    %dma_start3A_164 = tpu.memref_squeeze %dma_start3A_163 : memref<1x!tpu.dma_semaphore, #tpu.memory_space<semaphore_mem>> -> memref<!tpu.dma_semaphore, #tpu.memory_space<semaphore_mem>>
    tpu.enqueue_indirect_dma source(%dma_start3A_162 : memref<10000x128xi32, #tpu.memory_space<hbm>>) target(%dma_start3A_157 : memref<200x128xi32, #tpu.memory_space<vmem>>) offsets(%dma_start3A_159 : memref<200xi32, #tpu.memory_space<vmem>>) semaphore(%dma_start3A_164 : memref<!tpu.dma_semaphore, #tpu.memory_space<semaphore_mem>>)
    %rem3A_165 = arith.constant 2 : i32
    %rem3A_166 = arith.constant 4 : i32
    %rem3A_167 = arith.remsi %rem3A_165, %rem3A_166 : i32
    %dma_start3A_168 = arith.constant 0 : i32
    %dma_start3A_169 = arith.constant 0 : i32
    %dma_start3A_170 = tpu.memref_slice %arg9[%rem3A_167, %dma_start3A_168, %dma_start3A_169] : memref<4x200x128xi32, #tpu.memory_space<vmem>> -> memref<1x200x128xi32, #tpu.memory_space<vmem>>
    %dma_start3A_171 = tpu.memref_squeeze %dma_start3A_170 : memref<1x200x128xi32, #tpu.memory_space<vmem>> -> memref<200x128xi32, #tpu.memory_space<vmem>>
    %dma_start3A_172 = arith.constant 400 : i32
    %dma_start3A_173 = tpu.memref_slice %arg8[%dma_start3A_172] : memref<5000xi32, #tpu.memory_space<vmem>> -> memref<200xi32, #tpu.memory_space<vmem>>
    %dma_start3A_174 = arith.constant 0 : i32
    %dma_start3A_175 = arith.constant 0 : i32
    %dma_start3A_176 = tpu.memref_slice %arg2[%dma_start3A_174, %dma_start3A_175] : memref<10000x128xi32, #tpu.memory_space<hbm>> -> memref<10000x128xi32, #tpu.memory_space<hbm>>
    %dma_start3A_177 = tpu.memref_slice %arg10[%rem3A_167] : memref<4x!tpu.dma_semaphore, #tpu.memory_space<semaphore_mem>> -> memref<1x!tpu.dma_semaphore, #tpu.memory_space<semaphore_mem>>
    %dma_start3A_178 = tpu.memref_squeeze %dma_start3A_177 : memref<1x!tpu.dma_semaphore, #tpu.memory_space<semaphore_mem>> -> memref<!tpu.dma_semaphore, #tpu.memory_space<semaphore_mem>>
    tpu.enqueue_indirect_dma source(%dma_start3A_176 : memref<10000x128xi32, #tpu.memory_space<hbm>>) target(%dma_start3A_171 : memref<200x128xi32, #tpu.memory_space<vmem>>) offsets(%dma_start3A_173 : memref<200xi32, #tpu.memory_space<vmem>>) semaphore(%dma_start3A_178 : memref<!tpu.dma_semaphore, #tpu.memory_space<semaphore_mem>>)
    %rem3A_179 = arith.constant 3 : i32
    %rem3A_180 = arith.constant 4 : i32
    %rem3A_181 = arith.remsi %rem3A_179, %rem3A_180 : i32
    %dma_start3A_182 = arith.constant 0 : i32
    %dma_start3A_183 = arith.constant 0 : i32
    %dma_start3A_184 = tpu.memref_slice %arg9[%rem3A_181, %dma_start3A_182, %dma_start3A_183] : memref<4x200x128xi32, #tpu.memory_space<vmem>> -> memref<1x200x128xi32, #tpu.memory_space<vmem>>
    %dma_start3A_185 = tpu.memref_squeeze %dma_start3A_184 : memref<1x200x128xi32, #tpu.memory_space<vmem>> -> memref<200x128xi32, #tpu.memory_space<vmem>>
    %dma_start3A_186 = arith.constant 600 : i32
    %dma_start3A_187 = tpu.memref_slice %arg8[%dma_start3A_186] : memref<5000xi32, #tpu.memory_space<vmem>> -> memref<200xi32, #tpu.memory_space<vmem>>
    %dma_start3A_188 = arith.constant 0 : i32
    %dma_start3A_189 = arith.constant 0 : i32
    %dma_start3A_190 = tpu.memref_slice %arg2[%dma_start3A_188, %dma_start3A_189] : memref<10000x128xi32, #tpu.memory_space<hbm>> -> memref<10000x128xi32, #tpu.memory_space<hbm>>
    %dma_start3A_191 = tpu.memref_slice %arg10[%rem3A_181] : memref<4x!tpu.dma_semaphore, #tpu.memory_space<semaphore_mem>> -> memref<1x!tpu.dma_semaphore, #tpu.memory_space<semaphore_mem>>
    %dma_start3A_192 = tpu.memref_squeeze %dma_start3A_191 : memref<1x!tpu.dma_semaphore, #tpu.memory_space<semaphore_mem>> -> memref<!tpu.dma_semaphore, #tpu.memory_space<semaphore_mem>>
    tpu.enqueue_indirect_dma source(%dma_start3A_190 : memref<10000x128xi32, #tpu.memory_space<hbm>>) target(%dma_start3A_185 : memref<200x128xi32, #tpu.memory_space<vmem>>) offsets(%dma_start3A_187 : memref<200xi32, #tpu.memory_space<vmem>>) semaphore(%dma_start3A_192 : memref<!tpu.dma_semaphore, #tpu.memory_space<semaphore_mem>>)
    %scan3A_193 = arith.constant 0 : i32
    %scan3A_194 = arith.constant 0 : i32
    %scan3A_195 = arith.constant 25 : i32
    %scan3A_196 = arith.addi %scan3A_194, %scan3A_195 : i32
    %scan3A_197 = arith.constant 1 : i32
    scf.for %scan3A_275 = %scan3A_194 to %scan3A_196 step %scan3A_197  : i32 {
      %rem3A_276 = arith.constant 4 : i32
      %rem3A_277 = arith.remsi %scan3A_275, %rem3A_276 : i32
      %mul3A_278 = arith.constant 200 : i32
      %mul3A_279 = arith.muli %scan3A_275, %mul3A_278 : i32
      %dma_wait3A_280 = arith.constant 0 : i32
      %dma_wait3A_281 = arith.constant 0 : i32
      %dma_wait3A_282 = tpu.memref_slice %arg9[%rem3A_277, %dma_wait3A_280, %dma_wait3A_281] : memref<4x200x128xi32, #tpu.memory_space<vmem>> -> memref<1x200x128xi32, #tpu.memory_space<vmem>>
      %dma_wait3A_283 = tpu.memref_squeeze %dma_wait3A_282 : memref<1x200x128xi32, #tpu.memory_space<vmem>> -> memref<200x128xi32, #tpu.memory_space<vmem>>
      %dma_wait3A_284 = tpu.memref_slice %arg8[%mul3A_279] : memref<5000xi32, #tpu.memory_space<vmem>> -> memref<200xi32, #tpu.memory_space<vmem>>
      %dma_wait3A_285 = arith.constant 0 : i32
      %dma_wait3A_286 = arith.constant 0 : i32
      %dma_wait3A_287 = tpu.memref_slice %arg2[%dma_wait3A_285, %dma_wait3A_286] : memref<10000x128xi32, #tpu.memory_space<hbm>> -> memref<10000x128xi32, #tpu.memory_space<hbm>>
      %dma_wait3A_288 = tpu.memref_slice %arg10[%rem3A_277] : memref<4x!tpu.dma_semaphore, #tpu.memory_space<semaphore_mem>> -> memref<1x!tpu.dma_semaphore, #tpu.memory_space<semaphore_mem>>
      %dma_wait3A_289 = tpu.memref_squeeze %dma_wait3A_288 : memref<1x!tpu.dma_semaphore, #tpu.memory_space<semaphore_mem>> -> memref<!tpu.dma_semaphore, #tpu.memory_space<semaphore_mem>>
      tpu.wait_indirect_dma semaphore(%dma_wait3A_289 : memref<!tpu.dma_semaphore, #tpu.memory_space<semaphore_mem>>) src(%dma_wait3A_287 : memref<10000x128xi32, #tpu.memory_space<hbm>>) dst(%dma_wait3A_283 : memref<200x128xi32, #tpu.memory_space<vmem>>)
      %rem3A_290 = arith.constant 4 : i32
      %rem3A_291 = arith.remsi %scan3A_275, %rem3A_290 : i32
      %mul3A_292 = arith.constant 200 : i32
      %mul3A_293 = arith.muli %scan3A_275, %mul3A_292 : i32
      %add3A_294 = arith.addi %mul3A_2, %mul3A_293 : i32
      %dma_start3A_295 = arith.constant 0 : i32
      %dma_start3A_296 = arith.constant 0 : i32
      %dma_start3A_297 = tpu.memref_slice %arg9[%rem3A_291, %dma_start3A_295, %dma_start3A_296] : memref<4x200x128xi32, #tpu.memory_space<vmem>> -> memref<1x200x128xi32, #tpu.memory_space<vmem>>
      %dma_start3A_298 = tpu.memref_squeeze %dma_start3A_297 : memref<1x200x128xi32, #tpu.memory_space<vmem>> -> memref<200x128xi32, #tpu.memory_space<vmem>>
      %dma_start3A_299 = arith.constant 0 : i32
      %dma_start3A_300 = tpu.memref_slice %arg6[%add3A_294, %dma_start3A_299] : memref<160000x128xi32, #tpu.memory_space<hbm>> -> memref<200x128xi32, #tpu.memory_space<hbm>>
      %dma_start3A_301 = tpu.memref_slice %arg11[%rem3A_291] : memref<4x!tpu.dma_semaphore, #tpu.memory_space<semaphore_mem>> -> memref<1x!tpu.dma_semaphore, #tpu.memory_space<semaphore_mem>>
      %dma_start3A_302 = tpu.memref_squeeze %dma_start3A_301 : memref<1x!tpu.dma_semaphore, #tpu.memory_space<semaphore_mem>> -> memref<!tpu.dma_semaphore, #tpu.memory_space<semaphore_mem>>
      %dma_start3A_303 = arith.constant 0 : i32
      %dma_start3A_304 = tpu.memref_slice %arg6[%add3A_294, %dma_start3A_303] : memref<160000x128xi32, #tpu.memory_space<hbm>> -> memref<200x128xi32, #tpu.memory_space<hbm>>
      %dma_start3A_305 = arith.constant 0 : i32
      %dma_start3A_306 = arith.constant 0 : i32
      %dma_start3A_307 = tpu.memref_slice %arg9[%rem3A_291, %dma_start3A_305, %dma_start3A_306] : memref<4x200x128xi32, #tpu.memory_space<vmem>> -> memref<1x200x128xi32, #tpu.memory_space<vmem>>
      %dma_start3A_308 = tpu.memref_squeeze %dma_start3A_307 : memref<1x200x128xi32, #tpu.memory_space<vmem>> -> memref<200x128xi32, #tpu.memory_space<vmem>>
      tpu.enqueue_dma source(%dma_start3A_308 : memref<200x128xi32, #tpu.memory_space<vmem>>) target(%dma_start3A_304 : memref<200x128xi32, #tpu.memory_space<hbm>>) target_semaphore(%dma_start3A_302 : memref<!tpu.dma_semaphore, #tpu.memory_space<semaphore_mem>>)
      %ge3A = arith.constant 1 : i32
      %ge3A_309 = arith.cmpi sge, %scan3A_275, %ge3A : i32
      %add3A_310 = arith.constant 4 : i32
      %add3A_311 = arith.addi %scan3A_275, %add3A_310 : i32
      %sub3A = arith.constant 1 : i32
      %sub3A_312 = arith.subi %add3A_311, %sub3A : i32
      %lt3A = arith.constant 25 : i32
      %lt3A_313 = arith.cmpi slt, %sub3A_312, %lt3A : i32
      %and3A = arith.andi %ge3A_309, %lt3A_313 : i1
      %convert_element_type3A = arith.extui %and3A : i1 to i32
      %cond3A = arith.constant 0 : i32
      %cond3A_314 = arith.cmpi ne, %convert_element_type3A, %cond3A : i32
      scf.if %cond3A_314 {
        %sub3A_315 = arith.constant 1 : i32
        %sub3A_316 = arith.subi %scan3A_275, %sub3A_315 : i32
        %rem3A_317 = arith.constant 4 : i32
        %rem3A_318 = arith.remsi %sub3A_316, %rem3A_317 : i32
        %mul3A_319 = arith.constant 200 : i32
        %mul3A_320 = arith.muli %sub3A_316, %mul3A_319 : i32
        %add3A_321 = arith.addi %mul3A_2, %mul3A_320 : i32
        %dma_wait3A_322 = arith.constant 0 : i32
        %dma_wait3A_323 = arith.constant 0 : i32
        %dma_wait3A_324 = tpu.memref_slice %arg9[%rem3A_318, %dma_wait3A_322, %dma_wait3A_323] : memref<4x200x128xi32, #tpu.memory_space<vmem>> -> memref<1x200x128xi32, #tpu.memory_space<vmem>>
        %dma_wait3A_325 = tpu.memref_squeeze %dma_wait3A_324 : memref<1x200x128xi32, #tpu.memory_space<vmem>> -> memref<200x128xi32, #tpu.memory_space<vmem>>
        %dma_wait3A_326 = arith.constant 0 : i32
        %dma_wait3A_327 = tpu.memref_slice %arg6[%add3A_321, %dma_wait3A_326] : memref<160000x128xi32, #tpu.memory_space<hbm>> -> memref<200x128xi32, #tpu.memory_space<hbm>>
        %dma_wait3A_328 = tpu.memref_slice %arg11[%rem3A_318] : memref<4x!tpu.dma_semaphore, #tpu.memory_space<semaphore_mem>> -> memref<1x!tpu.dma_semaphore, #tpu.memory_space<semaphore_mem>>
        %dma_wait3A_329 = tpu.memref_squeeze %dma_wait3A_328 : memref<1x!tpu.dma_semaphore, #tpu.memory_space<semaphore_mem>> -> memref<!tpu.dma_semaphore, #tpu.memory_space<semaphore_mem>>
        %dma_wait3A_330 = arith.constant 0 : i32
        %dma_wait3A_331 = tpu.memref_slice %arg6[%add3A_321, %dma_wait3A_330] : memref<160000x128xi32, #tpu.memory_space<hbm>> -> memref<200x128xi32, #tpu.memory_space<hbm>>
        %dma_wait3A_332 = arith.constant 0 : i32
        %dma_wait3A_333 = arith.constant 0 : i32
        %dma_wait3A_334 = tpu.memref_slice %arg9[%rem3A_318, %dma_wait3A_332, %dma_wait3A_333] : memref<4x200x128xi32, #tpu.memory_space<vmem>> -> memref<1x200x128xi32, #tpu.memory_space<vmem>>
        %dma_wait3A_335 = tpu.memref_squeeze %dma_wait3A_334 : memref<1x200x128xi32, #tpu.memory_space<vmem>> -> memref<200x128xi32, #tpu.memory_space<vmem>>
        tpu.wait_dma2 semaphore(%dma_wait3A_329 : memref<!tpu.dma_semaphore, #tpu.memory_space<semaphore_mem>>) src(%dma_wait3A_335 : memref<200x128xi32, #tpu.memory_space<vmem>>) dst(%dma_wait3A_331 : memref<200x128xi32, #tpu.memory_space<hbm>>)
        %add3A_336 = arith.constant 4 : i32
        %add3A_337 = arith.addi %scan3A_275, %add3A_336 : i32
        %sub3A_338 = arith.constant 1 : i32
        %sub3A_339 = arith.subi %add3A_337, %sub3A_338 : i32
        %rem3A_340 = arith.constant 4 : i32
        %rem3A_341 = arith.remsi %sub3A_339, %rem3A_340 : i32
        %mul3A_342 = arith.constant 200 : i32
        %mul3A_343 = arith.muli %sub3A_339, %mul3A_342 : i32
        %dma_start3A_344 = arith.constant 0 : i32
        %dma_start3A_345 = arith.constant 0 : i32
        %dma_start3A_346 = tpu.memref_slice %arg9[%rem3A_341, %dma_start3A_344, %dma_start3A_345] : memref<4x200x128xi32, #tpu.memory_space<vmem>> -> memref<1x200x128xi32, #tpu.memory_space<vmem>>
        %dma_start3A_347 = tpu.memref_squeeze %dma_start3A_346 : memref<1x200x128xi32, #tpu.memory_space<vmem>> -> memref<200x128xi32, #tpu.memory_space<vmem>>
        %dma_start3A_348 = tpu.memref_slice %arg8[%mul3A_343] : memref<5000xi32, #tpu.memory_space<vmem>> -> memref<200xi32, #tpu.memory_space<vmem>>
        %dma_start3A_349 = arith.constant 0 : i32
        %dma_start3A_350 = arith.constant 0 : i32
        %dma_start3A_351 = tpu.memref_slice %arg2[%dma_start3A_349, %dma_start3A_350] : memref<10000x128xi32, #tpu.memory_space<hbm>> -> memref<10000x128xi32, #tpu.memory_space<hbm>>
        %dma_start3A_352 = tpu.memref_slice %arg10[%rem3A_341] : memref<4x!tpu.dma_semaphore, #tpu.memory_space<semaphore_mem>> -> memref<1x!tpu.dma_semaphore, #tpu.memory_space<semaphore_mem>>
        %dma_start3A_353 = tpu.memref_squeeze %dma_start3A_352 : memref<1x!tpu.dma_semaphore, #tpu.memory_space<semaphore_mem>> -> memref<!tpu.dma_semaphore, #tpu.memory_space<semaphore_mem>>
        tpu.enqueue_indirect_dma source(%dma_start3A_351 : memref<10000x128xi32, #tpu.memory_space<hbm>>) target(%dma_start3A_347 : memref<200x128xi32, #tpu.memory_space<vmem>>) offsets(%dma_start3A_348 : memref<200xi32, #tpu.memory_space<vmem>>) semaphore(%dma_start3A_353 : memref<!tpu.dma_semaphore, #tpu.memory_space<semaphore_mem>>)
      } else {
      }
    }
    %scan3A_198 = arith.constant 25 : i32
    %rem3A_199 = arith.constant 21 : i32
    %rem3A_200 = arith.constant 4 : i32
    %rem3A_201 = arith.remsi %rem3A_199, %rem3A_200 : i32
    %add3A_202 = arith.constant 4200 : i32
    %add3A_203 = arith.addi %mul3A_2, %add3A_202 : i32
    %dma_wait3A_204 = arith.constant 0 : i32
    %dma_wait3A_205 = arith.constant 0 : i32
    %dma_wait3A_206 = tpu.memref_slice %arg9[%rem3A_201, %dma_wait3A_204, %dma_wait3A_205] : memref<4x200x128xi32, #tpu.memory_space<vmem>> -> memref<1x200x128xi32, #tpu.memory_space<vmem>>
    %dma_wait3A_207 = tpu.memref_squeeze %dma_wait3A_206 : memref<1x200x128xi32, #tpu.memory_space<vmem>> -> memref<200x128xi32, #tpu.memory_space<vmem>>
    %dma_wait3A_208 = arith.constant 0 : i32
    %dma_wait3A_209 = tpu.memref_slice %arg6[%add3A_203, %dma_wait3A_208] : memref<160000x128xi32, #tpu.memory_space<hbm>> -> memref<200x128xi32, #tpu.memory_space<hbm>>
    %dma_wait3A_210 = tpu.memref_slice %arg11[%rem3A_201] : memref<4x!tpu.dma_semaphore, #tpu.memory_space<semaphore_mem>> -> memref<1x!tpu.dma_semaphore, #tpu.memory_space<semaphore_mem>>
    %dma_wait3A_211 = tpu.memref_squeeze %dma_wait3A_210 : memref<1x!tpu.dma_semaphore, #tpu.memory_space<semaphore_mem>> -> memref<!tpu.dma_semaphore, #tpu.memory_space<semaphore_mem>>
    %dma_wait3A_212 = arith.constant 0 : i32
    %dma_wait3A_213 = tpu.memref_slice %arg6[%add3A_203, %dma_wait3A_212] : memref<160000x128xi32, #tpu.memory_space<hbm>> -> memref<200x128xi32, #tpu.memory_space<hbm>>
    %dma_wait3A_214 = arith.constant 0 : i32
    %dma_wait3A_215 = arith.constant 0 : i32
    %dma_wait3A_216 = tpu.memref_slice %arg9[%rem3A_201, %dma_wait3A_214, %dma_wait3A_215] : memref<4x200x128xi32, #tpu.memory_space<vmem>> -> memref<1x200x128xi32, #tpu.memory_space<vmem>>
    %dma_wait3A_217 = tpu.memref_squeeze %dma_wait3A_216 : memref<1x200x128xi32, #tpu.memory_space<vmem>> -> memref<200x128xi32, #tpu.memory_space<vmem>>
    tpu.wait_dma2 semaphore(%dma_wait3A_211 : memref<!tpu.dma_semaphore, #tpu.memory_space<semaphore_mem>>) src(%dma_wait3A_217 : memref<200x128xi32, #tpu.memory_space<vmem>>) dst(%dma_wait3A_213 : memref<200x128xi32, #tpu.memory_space<hbm>>)
    %rem3A_218 = arith.constant 22 : i32
    %rem3A_219 = arith.constant 4 : i32
    %rem3A_220 = arith.remsi %rem3A_218, %rem3A_219 : i32
    %add3A_221 = arith.constant 4400 : i32
    %add3A_222 = arith.addi %mul3A_2, %add3A_221 : i32
    %dma_wait3A_223 = arith.constant 0 : i32
    %dma_wait3A_224 = arith.constant 0 : i32
    %dma_wait3A_225 = tpu.memref_slice %arg9[%rem3A_220, %dma_wait3A_223, %dma_wait3A_224] : memref<4x200x128xi32, #tpu.memory_space<vmem>> -> memref<1x200x128xi32, #tpu.memory_space<vmem>>
    %dma_wait3A_226 = tpu.memref_squeeze %dma_wait3A_225 : memref<1x200x128xi32, #tpu.memory_space<vmem>> -> memref<200x128xi32, #tpu.memory_space<vmem>>
    %dma_wait3A_227 = arith.constant 0 : i32
    %dma_wait3A_228 = tpu.memref_slice %arg6[%add3A_222, %dma_wait3A_227] : memref<160000x128xi32, #tpu.memory_space<hbm>> -> memref<200x128xi32, #tpu.memory_space<hbm>>
    %dma_wait3A_229 = tpu.memref_slice %arg11[%rem3A_220] : memref<4x!tpu.dma_semaphore, #tpu.memory_space<semaphore_mem>> -> memref<1x!tpu.dma_semaphore, #tpu.memory_space<semaphore_mem>>
    %dma_wait3A_230 = tpu.memref_squeeze %dma_wait3A_229 : memref<1x!tpu.dma_semaphore, #tpu.memory_space<semaphore_mem>> -> memref<!tpu.dma_semaphore, #tpu.memory_space<semaphore_mem>>
    %dma_wait3A_231 = arith.constant 0 : i32
    %dma_wait3A_232 = tpu.memref_slice %arg6[%add3A_222, %dma_wait3A_231] : memref<160000x128xi32, #tpu.memory_space<hbm>> -> memref<200x128xi32, #tpu.memory_space<hbm>>
    %dma_wait3A_233 = arith.constant 0 : i32
    %dma_wait3A_234 = arith.constant 0 : i32
    %dma_wait3A_235 = tpu.memref_slice %arg9[%rem3A_220, %dma_wait3A_233, %dma_wait3A_234] : memref<4x200x128xi32, #tpu.memory_space<vmem>> -> memref<1x200x128xi32, #tpu.memory_space<vmem>>
    %dma_wait3A_236 = tpu.memref_squeeze %dma_wait3A_235 : memref<1x200x128xi32, #tpu.memory_space<vmem>> -> memref<200x128xi32, #tpu.memory_space<vmem>>
    tpu.wait_dma2 semaphore(%dma_wait3A_230 : memref<!tpu.dma_semaphore, #tpu.memory_space<semaphore_mem>>) src(%dma_wait3A_236 : memref<200x128xi32, #tpu.memory_space<vmem>>) dst(%dma_wait3A_232 : memref<200x128xi32, #tpu.memory_space<hbm>>)
    %rem3A_237 = arith.constant 23 : i32
    %rem3A_238 = arith.constant 4 : i32
    %rem3A_239 = arith.remsi %rem3A_237, %rem3A_238 : i32
    %add3A_240 = arith.constant 4600 : i32
    %add3A_241 = arith.addi %mul3A_2, %add3A_240 : i32
    %dma_wait3A_242 = arith.constant 0 : i32
    %dma_wait3A_243 = arith.constant 0 : i32
    %dma_wait3A_244 = tpu.memref_slice %arg9[%rem3A_239, %dma_wait3A_242, %dma_wait3A_243] : memref<4x200x128xi32, #tpu.memory_space<vmem>> -> memref<1x200x128xi32, #tpu.memory_space<vmem>>
    %dma_wait3A_245 = tpu.memref_squeeze %dma_wait3A_244 : memref<1x200x128xi32, #tpu.memory_space<vmem>> -> memref<200x128xi32, #tpu.memory_space<vmem>>
    %dma_wait3A_246 = arith.constant 0 : i32
    %dma_wait3A_247 = tpu.memref_slice %arg6[%add3A_241, %dma_wait3A_246] : memref<160000x128xi32, #tpu.memory_space<hbm>> -> memref<200x128xi32, #tpu.memory_space<hbm>>
    %dma_wait3A_248 = tpu.memref_slice %arg11[%rem3A_239] : memref<4x!tpu.dma_semaphore, #tpu.memory_space<semaphore_mem>> -> memref<1x!tpu.dma_semaphore, #tpu.memory_space<semaphore_mem>>
    %dma_wait3A_249 = tpu.memref_squeeze %dma_wait3A_248 : memref<1x!tpu.dma_semaphore, #tpu.memory_space<semaphore_mem>> -> memref<!tpu.dma_semaphore, #tpu.memory_space<semaphore_mem>>
    %dma_wait3A_250 = arith.constant 0 : i32
    %dma_wait3A_251 = tpu.memref_slice %arg6[%add3A_241, %dma_wait3A_250] : memref<160000x128xi32, #tpu.memory_space<hbm>> -> memref<200x128xi32, #tpu.memory_space<hbm>>
    %dma_wait3A_252 = arith.constant 0 : i32
    %dma_wait3A_253 = arith.constant 0 : i32
    %dma_wait3A_254 = tpu.memref_slice %arg9[%rem3A_239, %dma_wait3A_252, %dma_wait3A_253] : memref<4x200x128xi32, #tpu.memory_space<vmem>> -> memref<1x200x128xi32, #tpu.memory_space<vmem>>
    %dma_wait3A_255 = tpu.memref_squeeze %dma_wait3A_254 : memref<1x200x128xi32, #tpu.memory_space<vmem>> -> memref<200x128xi32, #tpu.memory_space<vmem>>
    tpu.wait_dma2 semaphore(%dma_wait3A_249 : memref<!tpu.dma_semaphore, #tpu.memory_space<semaphore_mem>>) src(%dma_wait3A_255 : memref<200x128xi32, #tpu.memory_space<vmem>>) dst(%dma_wait3A_251 : memref<200x128xi32, #tpu.memory_space<hbm>>)
    %rem3A_256 = arith.constant 24 : i32
    %rem3A_257 = arith.constant 4 : i32
    %rem3A_258 = arith.remsi %rem3A_256, %rem3A_257 : i32
    %add3A_259 = arith.constant 4800 : i32
    %add3A_260 = arith.addi %mul3A_2, %add3A_259 : i32
    %dma_wait3A_261 = arith.constant 0 : i32
    %dma_wait3A_262 = arith.constant 0 : i32
    %dma_wait3A_263 = tpu.memref_slice %arg9[%rem3A_258, %dma_wait3A_261, %dma_wait3A_262] : memref<4x200x128xi32, #tpu.memory_space<vmem>> -> memref<1x200x128xi32, #tpu.memory_space<vmem>>
    %dma_wait3A_264 = tpu.memref_squeeze %dma_wait3A_263 : memref<1x200x128xi32, #tpu.memory_space<vmem>> -> memref<200x128xi32, #tpu.memory_space<vmem>>
    %dma_wait3A_265 = arith.constant 0 : i32
    %dma_wait3A_266 = tpu.memref_slice %arg6[%add3A_260, %dma_wait3A_265] : memref<160000x128xi32, #tpu.memory_space<hbm>> -> memref<200x128xi32, #tpu.memory_space<hbm>>
    %dma_wait3A_267 = tpu.memref_slice %arg11[%rem3A_258] : memref<4x!tpu.dma_semaphore, #tpu.memory_space<semaphore_mem>> -> memref<1x!tpu.dma_semaphore, #tpu.memory_space<semaphore_mem>>
    %dma_wait3A_268 = tpu.memref_squeeze %dma_wait3A_267 : memref<1x!tpu.dma_semaphore, #tpu.memory_space<semaphore_mem>> -> memref<!tpu.dma_semaphore, #tpu.memory_space<semaphore_mem>>
    %dma_wait3A_269 = arith.constant 0 : i32
    %dma_wait3A_270 = tpu.memref_slice %arg6[%add3A_260, %dma_wait3A_269] : memref<160000x128xi32, #tpu.memory_space<hbm>> -> memref<200x128xi32, #tpu.memory_space<hbm>>
    %dma_wait3A_271 = arith.constant 0 : i32
    %dma_wait3A_272 = arith.constant 0 : i32
    %dma_wait3A_273 = tpu.memref_slice %arg9[%rem3A_258, %dma_wait3A_271, %dma_wait3A_272] : memref<4x200x128xi32, #tpu.memory_space<vmem>> -> memref<1x200x128xi32, #tpu.memory_space<vmem>>
    %dma_wait3A_274 = tpu.memref_squeeze %dma_wait3A_273 : memref<1x200x128xi32, #tpu.memory_space<vmem>> -> memref<200x128xi32, #tpu.memory_space<vmem>>
    tpu.wait_dma2 semaphore(%dma_wait3A_268 : memref<!tpu.dma_semaphore, #tpu.memory_space<semaphore_mem>>) src(%dma_wait3A_274 : memref<200x128xi32, #tpu.memory_space<vmem>>) dst(%dma_wait3A_270 : memref<200x128xi32, #tpu.memory_space<hbm>>)
    return
  }
}

module attributes {stable_mosaic.version = 14 : i64} {
  func.func @body(%arg0: i32, %arg1: memref<1000x256xf32, #tpu.memory_space<vmem>>, %arg2: memref<1000x128xi32, #tpu.memory_space<vmem>>) attributes {dimension_semantics = [#tpu.dimension_semantics<arbitrary>], iteration_bounds = array<i64: 10>, scalar_prefetch = 0 : i64, scratch_operands = 0 : i64, tpu.core_type = #tpu.core_type<tc>, window_params = [{transform_indices = @transform_0, window_bounds = array<i64: 1000, 256>}, {transform_indices = @transform_1, window_bounds = array<i64: 1000, 128>}]} {
    %get3A = arith.constant 0 : index
    %get3A_0 = arith.constant 0 : index
    %get3A_1 = vector.load %arg1[%get3A, %get3A_0] : memref<1000x256xf32, #tpu.memory_space<vmem>>, vector<1000x256xf32>
    %bitcast_convert_type3A = tpu.bitcast %get3A_1 : vector<1000x256xf32> -> vector<1000x256xi32>
    %add3A = arith.constant 32768 : i32
    %add3A_2 = vector.broadcast %add3A : i32 to vector<1000x256xi32>
    %add3A_3 = arith.addi %bitcast_convert_type3A, %add3A_2 : vector<1000x256xi32>
    %slice3A = vector.extract_strided_slice %add3A_3 {offsets = [0, 0], sizes = [1000, 128], strides = [1, 1]} : vector<1000x256xi32> to vector<1000x128xi32>
    %shift_right_logical3A = arith.constant 16 : i32
    %shift_right_logical3A_4 = vector.broadcast %shift_right_logical3A : i32 to vector<1000x128xi32>
    %shift_right_logical3A_5 = arith.shrui %slice3A, %shift_right_logical3A_4 : vector<1000x128xi32>
    %slice3A_6 = vector.extract_strided_slice %add3A_3 {offsets = [0, 128], sizes = [1000, 128], strides = [1, 1]} : vector<1000x256xi32> to vector<1000x128xi32>
    %and3A = arith.constant -65536 : i32
    %and3A_7 = vector.broadcast %and3A : i32 to vector<1000x128xi32>
    %and3A_8 = arith.andi %slice3A_6, %and3A_7 : vector<1000x128xi32>
    %or3A = arith.ori %shift_right_logical3A_5, %and3A_8 : vector<1000x128xi32>
    %swap3A = arith.constant 0 : index
    %swap3A_9 = arith.constant 0 : index
    %swap3A_10 = vector.load %arg2[%swap3A, %swap3A_9] : memref<1000x128xi32, #tpu.memory_space<vmem>>, vector<1000x128xi32>
    tpu.vector_store %arg2[%swap3A, %swap3A_9], %or3A {strides = array<i32>} : memref<1000x128xi32, #tpu.memory_space<vmem>>, vector<1000x128xi32>,
    return
  }
  func.func @transform_0(%arg0: i32) -> (i32, i32) {
    %c0_i32 = arith.constant 0 : i32
    %c0_i32_0 = arith.constant 0 : i32
    return %arg0, %c0_i32 : i32, i32
  }
  func.func @transform_1(%arg0: i32) -> (i32, i32) {
    %c0_i32 = arith.constant 0 : i32
    %c0_i32_0 = arith.constant 0 : i32
    return %arg0, %c0_i32 : i32, i32
  }
}

module attributes {stable_mosaic.version = 14 : i64} {
  func.func @body(%arg0: i32, %arg1: memref<800x128xi32, #tpu.memory_space<vmem>>, %arg2: memref<800x128xi32, #tpu.memory_space<vmem>>, %arg3: memref<800x16xbf16, #tpu.memory_space<vmem>>, %arg4: memref<528x512xbf16, #tpu.memory_space<vmem>>, %arg5: memref<1x512xf32, #tpu.memory_space<vmem>>, %arg6: memref<512x256xbf16, #tpu.memory_space<vmem>>, %arg7: memref<1x256xf32, #tpu.memory_space<vmem>>, %arg8: memref<800x256xf32, #tpu.memory_space<vmem>>) attributes {dimension_semantics = [#tpu.dimension_semantics<arbitrary>], iteration_bounds = array<i64: 200>, scalar_prefetch = 0 : i64, scratch_operands = 0 : i64, tpu.core_type = #tpu.core_type<tc>, window_params = [{transform_indices = @transform_0, window_bounds = array<i64: 800, 128>}, {transform_indices = @transform_1, window_bounds = array<i64: 800, 128>}, {transform_indices = @transform_2, window_bounds = array<i64: 800, 16>}, {pipeline_mode = #tpu.pipeline_mode<synchronous>, transform_indices = @transform_3, window_bounds = array<i64: 528, 512>}, {pipeline_mode = #tpu.pipeline_mode<synchronous>, transform_indices = @transform_4, window_bounds = array<i64: 1, 512>}, {pipeline_mode = #tpu.pipeline_mode<synchronous>, transform_indices = @transform_5, window_bounds = array<i64: 512, 256>}, {pipeline_mode = #tpu.pipeline_mode<synchronous>, transform_indices = @transform_6, window_bounds = array<i64: 1, 256>}, {transform_indices = @transform_7, window_bounds = array<i64: 800, 256>}]} {
    %get3A = arith.constant 0 : index
    %get3A_0 = arith.constant 0 : index
    %get3A_1 = vector.load %arg1[%get3A, %get3A_0] : memref<800x128xi32, #tpu.memory_space<vmem>>, vector<800x128xi32>
    %shift_left3A = arith.constant 16 : i32
    %shift_left3A_2 = vector.broadcast %shift_left3A : i32 to vector<800x128xi32>
    %shift_left3A_3 = arith.shli %get3A_1, %shift_left3A_2 : vector<800x128xi32>
    %bitcast_convert_type3A = tpu.bitcast %shift_left3A_3 : vector<800x128xi32> -> vector<800x128xf32>
    %convert_element_type3A = arith.truncf %bitcast_convert_type3A : vector<800x128xf32> to vector<800x128xbf16>
    %and3A = arith.constant -65536 : i32
    %and3A_4 = vector.broadcast %and3A : i32 to vector<800x128xi32>
    %and3A_5 = arith.andi %get3A_1, %and3A_4 : vector<800x128xi32>
    %bitcast_convert_type3A_6 = tpu.bitcast %and3A_5 : vector<800x128xi32> -> vector<800x128xf32>
    %convert_element_type3A_7 = arith.truncf %bitcast_convert_type3A_6 : vector<800x128xf32> to vector<800x128xbf16>
    %get3A_8 = arith.constant 0 : index
    %get3A_9 = arith.constant 0 : index
    %get3A_10 = vector.load %arg2[%get3A_8, %get3A_9] : memref<800x128xi32, #tpu.memory_space<vmem>>, vector<800x128xi32>
    %shift_left3A_11 = arith.constant 16 : i32
    %shift_left3A_12 = vector.broadcast %shift_left3A_11 : i32 to vector<800x128xi32>
    %shift_left3A_13 = arith.shli %get3A_10, %shift_left3A_12 : vector<800x128xi32>
    %bitcast_convert_type3A_14 = tpu.bitcast %shift_left3A_13 : vector<800x128xi32> -> vector<800x128xf32>
    %convert_element_type3A_15 = arith.truncf %bitcast_convert_type3A_14 : vector<800x128xf32> to vector<800x128xbf16>
    %and3A_16 = arith.constant -65536 : i32
    %and3A_17 = vector.broadcast %and3A_16 : i32 to vector<800x128xi32>
    %and3A_18 = arith.andi %get3A_10, %and3A_17 : vector<800x128xi32>
    %bitcast_convert_type3A_19 = tpu.bitcast %and3A_18 : vector<800x128xi32> -> vector<800x128xf32>
    %convert_element_type3A_20 = arith.truncf %bitcast_convert_type3A_19 : vector<800x128xf32> to vector<800x128xbf16>
    %get3A_21 = arith.constant 0 : index
    %get3A_22 = arith.constant 0 : index
    %get3A_23 = vector.load %arg3[%get3A_21, %get3A_22] : memref<800x16xbf16, #tpu.memory_space<vmem>>, vector<800x16xbf16>
    %concatenate3A = tpu.concatenate %convert_element_type3A, %convert_element_type3A_7, %convert_element_type3A_15, %convert_element_type3A_20, %get3A_23 in 1 : vector<800x128xbf16>, vector<800x128xbf16>, vector<800x128xbf16>, vector<800x128xbf16>, vector<800x16xbf16> -> vector<800x528xbf16>
    %get3A_24 = arith.constant 0 : index
    %get3A_25 = arith.constant 0 : index
    %get3A_26 = vector.load %arg4[%get3A_24, %get3A_25] : memref<528x512xbf16, #tpu.memory_space<vmem>>, vector<528x512xbf16>
    %dot_general3A = arith.constant dense<0.000000e+00> : vector<800x512xf32>
    %dot_general3A_27 = tpu.matmul %concatenate3A, %get3A_26, %dot_general3A {dimension_numbers = #tpu.dot_dimension_numbers<[1], [0], [0], [1], [0, 0, 1, 1], [], []>, transpose_lhs_hint = false} : vector<800x528xbf16>, vector<528x512xbf16>, vector<800x512xf32> -> vector<800x512xf32>
    %get3A_28 = arith.constant 0 : index
    %get3A_29 = arith.constant 0 : index
    %get3A_30 = vector.load %arg5[%get3A_28, %get3A_29] : memref<1x512xf32, #tpu.memory_space<vmem>>, vector<1x512xf32>
    %add3A = vector.broadcast %get3A_30 : vector<1x512xf32> to vector<800x512xf32>
    %add3A_31 = arith.addf %dot_general3A_27, %add3A : vector<800x512xf32>
    %max3A = arith.constant 0.000000e+00 : f32
    %max3A_32 = vector.broadcast %max3A : f32 to vector<800x512xf32>
    %max3A_33 = arith.maximumf %add3A_31, %max3A_32 : vector<800x512xf32>
    %convert_element_type3A_34 = arith.truncf %max3A_33 : vector<800x512xf32> to vector<800x512xbf16>
    %get3A_35 = arith.constant 0 : index
    %get3A_36 = arith.constant 0 : index
    %get3A_37 = vector.load %arg6[%get3A_35, %get3A_36] : memref<512x256xbf16, #tpu.memory_space<vmem>>, vector<512x256xbf16>
    %dot_general3A_38 = arith.constant dense<0.000000e+00> : vector<800x256xf32>
    %dot_general3A_39 = tpu.matmul %convert_element_type3A_34, %get3A_37, %dot_general3A_38 {dimension_numbers = #tpu.dot_dimension_numbers<[1], [0], [0], [1], [0, 0, 1, 1], [], []>, transpose_lhs_hint = false} : vector<800x512xbf16>, vector<512x256xbf16>, vector<800x256xf32> -> vector<800x256xf32>
    %get3A_40 = arith.constant 0 : index
    %get3A_41 = arith.constant 0 : index
    %get3A_42 = vector.load %arg7[%get3A_40, %get3A_41] : memref<1x256xf32, #tpu.memory_space<vmem>>, vector<1x256xf32>
    %add3A_43 = vector.broadcast %get3A_42 : vector<1x256xf32> to vector<800x256xf32>
    %add3A_44 = arith.addf %dot_general3A_39, %add3A_43 : vector<800x256xf32>
    %swap3A = arith.constant 0 : index
    %swap3A_45 = arith.constant 0 : index
    %swap3A_46 = vector.load %arg8[%swap3A, %swap3A_45] : memref<800x256xf32, #tpu.memory_space<vmem>>, vector<800x256xf32>
    tpu.vector_store %arg8[%swap3A, %swap3A_45], %add3A_44 {strides = array<i32>} : memref<800x256xf32, #tpu.memory_space<vmem>>, vector<800x256xf32>,
    return
  }
  func.func @transform_0(%arg0: i32) -> (i32, i32) {
    %c0_i32 = arith.constant 0 : i32
    %c0_i32_0 = arith.constant 0 : i32
    return %arg0, %c0_i32 : i32, i32
  }
  func.func @transform_1(%arg0: i32) -> (i32, i32) {
    %c0_i32 = arith.constant 0 : i32
    %c0_i32_0 = arith.constant 0 : i32
    return %arg0, %c0_i32 : i32, i32
  }
  func.func @transform_2(%arg0: i32) -> (i32, i32) {
    %c0_i32 = arith.constant 0 : i32
    %c0_i32_0 = arith.constant 0 : i32
    return %arg0, %c0_i32 : i32, i32
  }
  func.func @transform_3(%arg0: i32) -> (i32, i32) {
    %c0_i32 = arith.constant 0 : i32
    %c0_i32_0 = arith.constant 0 : i32
    %c0_i32_1 = arith.constant 0 : i32
    return %c0_i32, %c0_i32_0 : i32, i32
  }
  func.func @transform_4(%arg0: i32) -> (i32, i32) {
    %c0_i32 = arith.constant 0 : i32
    %c0_i32_0 = arith.constant 0 : i32
    %c0_i32_1 = arith.constant 0 : i32
    return %c0_i32, %c0_i32_0 : i32, i32
  }
  func.func @transform_5(%arg0: i32) -> (i32, i32) {
    %c0_i32 = arith.constant 0 : i32
    %c0_i32_0 = arith.constant 0 : i32
    %c0_i32_1 = arith.constant 0 : i32
    return %c0_i32, %c0_i32_0 : i32, i32
  }
  func.func @transform_6(%arg0: i32) -> (i32, i32) {
    %c0_i32 = arith.constant 0 : i32
    %c0_i32_0 = arith.constant 0 : i32
    %c0_i32_1 = arith.constant 0 : i32
    return %c0_i32, %c0_i32_0 : i32, i32
  }
  func.func @transform_7(%arg0: i32) -> (i32, i32) {
    %c0_i32 = arith.constant 0 : i32
    %c0_i32_0 = arith.constant 0 : i32
    return %arg0, %c0_i32 : i32, i32
  }
}

module attributes {stable_mosaic.version = 14 : i64} {
  func.func @body(%arg0: i32, %arg1: memref<1000x256xbf16, #tpu.memory_space<vmem>>, %arg2: memref<1000x256xf32, #tpu.memory_space<vmem>>, %arg3: memref<256x512xbf16, #tpu.memory_space<vmem>>, %arg4: memref<256x512xbf16, #tpu.memory_space<vmem>>, %arg5: memref<1x512xf32, #tpu.memory_space<vmem>>, %arg6: memref<512x256xbf16, #tpu.memory_space<vmem>>, %arg7: memref<1x256xf32, #tpu.memory_space<vmem>>, %arg8: memref<1000x256xf32, #tpu.memory_space<vmem>>) attributes {dimension_semantics = [#tpu.dimension_semantics<arbitrary>], iteration_bounds = array<i64: 10>, scalar_prefetch = 0 : i64, scratch_operands = 0 : i64, tpu.core_type = #tpu.core_type<tc>, window_params = [{transform_indices = @transform_0, window_bounds = array<i64: 1000, 256>}, {transform_indices = @transform_1, window_bounds = array<i64: 1000, 256>}, {pipeline_mode = #tpu.pipeline_mode<synchronous>, transform_indices = @transform_2, window_bounds = array<i64: 256, 512>}, {pipeline_mode = #tpu.pipeline_mode<synchronous>, transform_indices = @transform_3, window_bounds = array<i64: 256, 512>}, {pipeline_mode = #tpu.pipeline_mode<synchronous>, transform_indices = @transform_4, window_bounds = array<i64: 1, 512>}, {pipeline_mode = #tpu.pipeline_mode<synchronous>, transform_indices = @transform_5, window_bounds = array<i64: 512, 256>}, {pipeline_mode = #tpu.pipeline_mode<synchronous>, transform_indices = @transform_6, window_bounds = array<i64: 1, 256>}, {transform_indices = @transform_7, window_bounds = array<i64: 1000, 256>}]} {
    %get3A = arith.constant 0 : index
    %get3A_0 = arith.constant 0 : index
    %get3A_1 = vector.load %arg1[%get3A, %get3A_0] : memref<1000x256xbf16, #tpu.memory_space<vmem>>, vector<1000x256xbf16>
    %get3A_2 = arith.constant 0 : index
    %get3A_3 = arith.constant 0 : index
    %get3A_4 = vector.load %arg3[%get3A_2, %get3A_3] : memref<256x512xbf16, #tpu.memory_space<vmem>>, vector<256x512xbf16>
    %dot_general3A = arith.constant dense<0.000000e+00> : vector<1000x512xf32>
    %dot_general3A_5 = tpu.matmul %get3A_1, %get3A_4, %dot_general3A {dimension_numbers = #tpu.dot_dimension_numbers<[1], [0], [0], [1], [0, 0, 1, 1], [], []>, transpose_lhs_hint = false} : vector<1000x256xbf16>, vector<256x512xbf16>, vector<1000x512xf32> -> vector<1000x512xf32>
    %get3A_6 = arith.constant 0 : index
    %get3A_7 = arith.constant 0 : index
    %get3A_8 = vector.load %arg2[%get3A_6, %get3A_7] : memref<1000x256xf32, #tpu.memory_space<vmem>>, vector<1000x256xf32>
    %convert_element_type3A = arith.truncf %get3A_8 : vector<1000x256xf32> to vector<1000x256xbf16>
    %get3A_9 = arith.constant 0 : index
    %get3A_10 = arith.constant 0 : index
    %get3A_11 = vector.load %arg4[%get3A_9, %get3A_10] : memref<256x512xbf16, #tpu.memory_space<vmem>>, vector<256x512xbf16>
    %dot_general3A_12 = arith.constant dense<0.000000e+00> : vector<1000x512xf32>
    %dot_general3A_13 = tpu.matmul %convert_element_type3A, %get3A_11, %dot_general3A_12 {dimension_numbers = #tpu.dot_dimension_numbers<[1], [0], [0], [1], [0, 0, 1, 1], [], []>, transpose_lhs_hint = false} : vector<1000x256xbf16>, vector<256x512xbf16>, vector<1000x512xf32> -> vector<1000x512xf32>
    %add3A = arith.addf %dot_general3A_5, %dot_general3A_13 : vector<1000x512xf32>
    %get3A_14 = arith.constant 0 : index
    %get3A_15 = arith.constant 0 : index
    %get3A_16 = vector.load %arg5[%get3A_14, %get3A_15] : memref<1x512xf32, #tpu.memory_space<vmem>>, vector<1x512xf32>
    %add3A_17 = vector.broadcast %get3A_16 : vector<1x512xf32> to vector<1000x512xf32>
    %add3A_18 = arith.addf %add3A, %add3A_17 : vector<1000x512xf32>
    %max3A = arith.constant 0.000000e+00 : f32
    %max3A_19 = vector.broadcast %max3A : f32 to vector<1000x512xf32>
    %max3A_20 = arith.maximumf %add3A_18, %max3A_19 : vector<1000x512xf32>
    %convert_element_type3A_21 = arith.truncf %max3A_20 : vector<1000x512xf32> to vector<1000x512xbf16>
    %get3A_22 = arith.constant 0 : index
    %get3A_23 = arith.constant 0 : index
    %get3A_24 = vector.load %arg6[%get3A_22, %get3A_23] : memref<512x256xbf16, #tpu.memory_space<vmem>>, vector<512x256xbf16>
    %dot_general3A_25 = arith.constant dense<0.000000e+00> : vector<1000x256xf32>
    %dot_general3A_26 = tpu.matmul %convert_element_type3A_21, %get3A_24, %dot_general3A_25 {dimension_numbers = #tpu.dot_dimension_numbers<[1], [0], [0], [1], [0, 0, 1, 1], [], []>, transpose_lhs_hint = false} : vector<1000x512xbf16>, vector<512x256xbf16>, vector<1000x256xf32> -> vector<1000x256xf32>
    %get3A_27 = arith.constant 0 : index
    %get3A_28 = arith.constant 0 : index
    %get3A_29 = vector.load %arg7[%get3A_27, %get3A_28] : memref<1x256xf32, #tpu.memory_space<vmem>>, vector<1x256xf32>
    %add3A_30 = vector.broadcast %get3A_29 : vector<1x256xf32> to vector<1000x256xf32>
    %add3A_31 = arith.addf %dot_general3A_26, %add3A_30 : vector<1000x256xf32>
    %swap3A = arith.constant 0 : index
    %swap3A_32 = arith.constant 0 : index
    %swap3A_33 = vector.load %arg8[%swap3A, %swap3A_32] : memref<1000x256xf32, #tpu.memory_space<vmem>>, vector<1000x256xf32>
    tpu.vector_store %arg8[%swap3A, %swap3A_32], %add3A_31 {strides = array<i32>} : memref<1000x256xf32, #tpu.memory_space<vmem>>, vector<1000x256xf32>,
    return
  }
  func.func @transform_0(%arg0: i32) -> (i32, i32) {
    %c0_i32 = arith.constant 0 : i32
    %c0_i32_0 = arith.constant 0 : i32
    return %arg0, %c0_i32 : i32, i32
  }
  func.func @transform_1(%arg0: i32) -> (i32, i32) {
    %c0_i32 = arith.constant 0 : i32
    %c0_i32_0 = arith.constant 0 : i32
    return %arg0, %c0_i32 : i32, i32
  }
  func.func @transform_2(%arg0: i32) -> (i32, i32) {
    %c0_i32 = arith.constant 0 : i32
    %c0_i32_0 = arith.constant 0 : i32
    %c0_i32_1 = arith.constant 0 : i32
    return %c0_i32, %c0_i32_0 : i32, i32
  }
  func.func @transform_3(%arg0: i32) -> (i32, i32) {
    %c0_i32 = arith.constant 0 : i32
    %c0_i32_0 = arith.constant 0 : i32
    %c0_i32_1 = arith.constant 0 : i32
    return %c0_i32, %c0_i32_0 : i32, i32
  }
  func.func @transform_4(%arg0: i32) -> (i32, i32) {
    %c0_i32 = arith.constant 0 : i32
    %c0_i32_0 = arith.constant 0 : i32
    %c0_i32_1 = arith.constant 0 : i32
    return %c0_i32, %c0_i32_0 : i32, i32
  }
  func.func @transform_5(%arg0: i32) -> (i32, i32) {
    %c0_i32 = arith.constant 0 : i32
    %c0_i32_0 = arith.constant 0 : i32
    %c0_i32_1 = arith.constant 0 : i32
    return %c0_i32, %c0_i32_0 : i32, i32
  }
  func.func @transform_6(%arg0: i32) -> (i32, i32) {
    %c0_i32 = arith.constant 0 : i32
    %c0_i32_0 = arith.constant 0 : i32
    %c0_i32_1 = arith.constant 0 : i32
    return %c0_i32, %c0_i32_0 : i32, i32
  }
  func.func @transform_7(%arg0: i32) -> (i32, i32) {
    %c0_i32 = arith.constant 0 : i32
    %c0_i32_0 = arith.constant 0 : i32
    return %arg0, %c0_i32 : i32, i32
  }
}

</mosaic_0001>

<sc_bundles>
// kernel: kernel.10.cloned.1.call-start
scs
__scs_entry_jumppad:
0x0: {  	(pc) =	sbr.rel $0x88, $3  }
0x1: {  	(tag) =	ssettag $0x0;
	lr =	simm.s32 $0x1  }
0x2: {  	[smem:$0x3F95] =	sst lr;
	_ =	strace $0xD0000000  }
0x3: {  	_ = 	snop  }
0x4: {  	_ = 	snop  }
0x5: {  	_ = 	snop  }
0x6: {  	_ = 	snop  }
0x7: {  	_ = 	snop  }
__scs_overlays_trampoline_lowered:
0x8: {  	[smem:$0x3FA4] =	sst s0  }
0x9: {  	[smem:$0x3FA5] =	sst s1  }
0xa: {  	[smem:$0x3FA6] =	sst s2  }
0xb: {  	[smem:$0x3FA7] =	sst s3  }
0xc: {  	[smem:$0x3FA8] =	sst s4  }
0xd: {  	[smem:$0x3FA9] =	sst s5  }
0xe: {  	[smem:$0x3FAA] =	sst s6  }
0xf: {  	[smem:$0x3FAB] =	sst s7  }
0x10: {  	[smem:$0x3FAC] =	sst s8  }
0x11: {  	[smem:$0x3FAD] =	sst s9;
	s0 =	simm.s32 @!p0 $0x0  }
0x12: {  	s1 =	sld [smem:$0x3F93];
	s0 =	simm.s32 @p0 $0x1  }
0x13: {  	[smem:$0x3FAE] =	sst s0;
	s0 =	simm.s32 @!p1 $0x0  }
0x14: {  	s2 =	sld [smem:$0x3F92];
	s0 =	simm.s32 @p1 $0x1  }
0x15: {  	[smem:$0x3FAF] =	sst s0;
	s0 =	simm.s32 @!p2 $0x0  }
0x16: {  	s3 =	sld [smem:$0x3FDB];
	s0 =	simm.s32 @p2 $0x1  }
0x17: {  	s4 =	simm.s32 $0x1BF5;
	[smem:$0x3FB1] =	sst s0  }
0x18: {  	s0 =	sld [smem:$0x3F94];
	_ =	swait.ge [sflag:s4], $0x0  }
0x19: {  	s7 =	sld [smem:$0x3F95]  }
0x1a: {  	s8 =	sadd.s32 $0xFFFFE003, lr  }
0x1b: {  	s9 =	sadd.s32 $0xFFFFFEF7, lr;
	s5 =	simm.s32 $0xFFFFFFFF;
	p2 =	slt.u32 s8, $0xFFFFF086  }
0x1c: {  	p1 =	slt.u32 s9, $0xF7A;
	s5 =	simm.s32 @!p2 $0x0  }
0x1d: {  	s5 =	simm.s32 @p1 $0x1;
	p0 =	seq.s32 s7, s2  }
0x1e: {  	s7 =	smul.u32 @!p0 $0xF7A, s2;
	p2 =	seq.s32 @!p0 s5, $0x0  }
0x1f: {  	s9 =	smul.u32 $0xF7A, s1;
	s8 =	simm.s32 @!p0 $0x1BF5;
	p2 =	por !p2, p0  }
0x20: {  	[sflag:s8] =	ssyncset.s32 @!p0 $0xFFFFF086;
	s6 =	sadd.s32 @!p0 s3, s7;
	s7 =	simm.s32 @!p0 $0x108  }
0x21: {  	s3 =	sadd.s32 s3, s9;
	s6 =	sadd.s32 @!p0 $0x88, s6;
	s7 =	simm.s32 @p2 $0x1082  }
0x22: {  	[simem:s7], [sflag:s8] =	dma.local @!p0 [hbm:s6], $0xF7A  }
0x23: {  	s9 =	sor.u32 $0xD0000000, s2;
	s6 =	simm.s32 $0x108;
	_ =	swait.ge @!p0 [sflag:s8], $0x0  }
0x24: {  	s3 =	sadd.s32 $0x88, s3;
	s6 =	simm.s32 @!p1 $0x1082;
	[sflag:s4] =	ssyncset.s32 $0xFFFFF086  }
0x25: {  	[simem:s6], [sflag:s4] =	dma.local [hbm:s3], $0xF7A  }
0x26: {  	[smem:$0x3F95] =	sst s1;
	(tag) =	ssettag s2;
	_ =	strace s9  }
0x27: {  	s1 =	sld [smem:$0x3FA5]  }
0x28: {  	s2 =	sld [smem:$0x3FA6]  }
0x29: {  	s4 =	sld [smem:$0x3FA8]  }
0x2a: {  	p0 =	seq.s32 s5, $0x0;
	s5 =	sld [smem:$0x3FA9]  }
0x2b: {  	s6 =	sld [smem:$0x3FAA]  }
0x2c: {  	s7 =	sld [smem:$0x3FAB]  }
0x2d: {  	s3 =	simm.s32 $0x108;
	s8 =	sld [smem:$0x3FAC]  }
0x2e: {  	s3 =	simm.s32 @!p0 $0x1082;
	s9 =	sld [smem:$0x3FAD]  }
0x2f: {  	lr =	sadd.s32 s0, s3;
	s0 =	sld [smem:$0x3FA4]  }
0x30: {  	s3 =	sld [smem:$0x3FA7]  }
0x31: {  	[smem:$0x3FB0] =	sst s10  }
0x32: {  	s10 =	sld [smem:$0x3FAE];
	_ =	sdelay $0x3  }
0x33: {  	p0 =	seq.s32 s10, $0x1;
	s10 =	sld [smem:$0x3FB0];
	_ =	sdelay $0x3  }
0x34: {  	[smem:$0x3FB0] =	sst s10  }
0x35: {  	s10 =	sld [smem:$0x3FAF];
	_ =	sdelay $0x3  }
0x36: {  	p1 =	seq.s32 s10, $0x1;
	s10 =	sld [smem:$0x3FB0];
	_ =	sdelay $0x3  }
0x37: {  	[smem:$0x3FB0] =	sst s10  }
0x38: {  	s10 =	sld [smem:$0x3FB1]  }
0x39: {  	_ = 	snop;
	(pc) =	sbr.ind lr, $3  }
0x3a: {  	_ = 	snop  }
0x3b: {  	_ = 	snop  }
0x3c: {  	p2 =	seq.s32 s10, $0x1;
	s10 =	sld [smem:$0x3FB0]  }
0x3d: {  	_ =	shalt  }
0x3e: {  	_ =	shalt  }
0x3f: {  	_ =	shalt  }
0x40: {  	_ =	shalt  }
0x41: {  	_ =	shalt  }
0x42: {  	_ =	shalt  }
0x43: {  	_ =	shalt  }
0x44: {  	_ =	shalt  }
0x45: {  	_ =	shalt  }
0x46: {  	_ =	shalt  }
0x47: {  	_ =	shalt  }
0x48: {  	_ =	shalt  }
0x49: {  	_ =	shalt  }
0x4a: {  	_ =	shalt  }
0x4b: {  	_ =	shalt  }
0x4c: {  	_ =	shalt  }
0x4d: {  	_ =	shalt  }
0x4e: {  	_ =	shalt  }
0x4f: {  	_ =	shalt  }
0x50: {  	_ =	shalt  }
0x51: {  	_ =	shalt  }
0x52: {  	_ =	shalt  }
0x53: {  	_ =	shalt  }
0x54: {  	_ =	shalt  }
0x55: {  	_ =	shalt  }
0x56: {  	_ =	shalt  }
0x57: {  	_ =	shalt  }
0x58: {  	_ =	shalt  }
0x59: {  	_ =	shalt  }
0x5a: {  	_ =	shalt  }
0x5b: {  	_ =	shalt  }
0x5c: {  	_ =	shalt  }
0x5d: {  	_ =	shalt  }
0x5e: {  	_ =	shalt  }
0x5f: {  	_ =	shalt  }
0x60: {  	_ =	shalt  }
0x61: {  	_ =	shalt  }
0x62: {  	_ =	shalt  }
0x63: {  	_ =	shalt  }
0x64: {  	_ =	shalt  }
0x65: {  	_ =	shalt  }
0x66: {  	_ =	shalt  }
0x67: {  	_ =	shalt  }
0x68: {  	_ =	shalt  }
0x69: {  	_ =	shalt  }
0x6a: {  	_ =	shalt  }
0x6b: {  	_ =	shalt  }
0x6c: {  	_ =	shalt  }
0x6d: {  	_ =	shalt  }
0x6e: {  	_ =	shalt  }
0x6f: {  	_ =	shalt  }
0x70: {  	_ =	shalt  }
0x71: {  	_ =	shalt  }
0x72: {  	_ =	shalt  }
0x73: {  	_ =	shalt  }
0x74: {  	_ =	shalt  }
0x75: {  	_ =	shalt  }
0x76: {  	_ =	shalt  }
0x77: {  	_ =	shalt  }
0x78: {  	_ =	shalt  }
0x79: {  	_ =	shalt  }
0x7a: {  	_ =	shalt  }
0x7b: {  	_ =	shalt  }
0x7c: {  	_ =	shalt  }
0x7d: {  	_ =	shalt  }
0x7e: {  	_ =	shalt  }
0x7f: {  	_ =	shalt  }
0x80: {  	_ =	shalt  }
0x81: {  	_ =	shalt  }
0x82: {  	_ =	shalt  }
0x83: {  	_ =	shalt  }
0x84: {  	_ =	shalt  }
0x85: {  	_ =	shalt  }
0x86: {  	_ =	shalt  }
0x87: {  	_ =	shalt  }
.Lfunc_end0:
.L_simem_size_0:
called_computation.1_lowered:
.L_overlay_start_0:
0x88: {  	s2 =	sld [smem:$0x3FD9]  }
0x89: {  	s3 =	sld [smem:$0x3FFE];
	_ =	sdelay $0x1  }
0x8a: {  	s1 =	srdreg.scid  }
0x8b: {  	s0 =	sand.u32 $0x1, s1  }
0x8c: {  	s14 =	sshll.u32 s0, $0xA;
	s2 =	sadd.s32 s3, s2  }
0x8d: {  	s2 =	sadd.s32 s2, s14  }
0x8e: {  	[smem:$0x3FBC] =	sst s2  }
0x8f: {  	_ = 	snop  }
0x90: {  	s2 =	sld [smem:$0x3FD0];
	_ =	sdelay $0x2  }
0x91: {  	s4 =	simm.s32 $0xA;
	s5 =	simm.s32 $0x10;
	s15 =	sld [smem:$0x3FC6]  }
0x92: {  	[smem:s5], [sflag:s4] =	dma.local [hbm:s2], $0x1  }
0x93: {  	_ =	swait.eq [sflag:s4], $0x1  }
0x94: {  	[sflag:s4] =	ssyncset.done $0x0  }
0x95: {  	s16 =	sld [smem:$0x10];
	[sflag:s4] =	ssyncadd.s32 $0xFFFFFFFF  }
0x96: {  	s17 =	sld [smem:$0x11];
	(tm) =	ssettm $0x1  }
0x97: {  	s18 =	sld [smem:$0x3FFB];
	_ =	sdelay $0x3  }
0x98: {  	_ =	strace s18  }
0x99: {  	s5 =	sld [smem:$0x3FFC];
	_ =	sdelay $0x3  }
0x9a: {  	_ =	strace s5  }
0x9b: {  	s5 =	sld [smem:$0x3FFD];
	_ =	sdelay $0x3  }
0x9c: {  	_ =	strace s5  }
0x9d: {  	_ =	strace $0x8FFFFFFF  }
0x9e: {  	s19 =	sld [smem:$0x3FDB];
	_ =	sdelay $0x1  }
0x9f: {  	s6 =	simm.s32 $_scs_section_size  }
0xa0: {  	s7 =	simm.s32 $_size__tile_overlayer_lowered;
	s8 =	simm.s32 $_tile_overlayer_lowered  }
0xa1: {  	s22 =	simm.s32 $0x1BFF;
	s21 =	sshll.u32 s8, $0x1;
	s5 =	sadd.s32 s6, s19  }
0xa2: {  	s9 =	simm.s32 $0x0;
	s20 =	sshll.u32 s7, $0x1;
	s7 =	sadd.s32 s21, s5  }
0xa3: {  	[timem:s9], [sflag:s22] =	dma.local [hbm:s7], s20  }
0xa4: {  	_ =	swait.ge [sflag:s22], s20  }
0xa5: {  	s6 =	ssub.s32 $0x0, s20;
	[sflag:s22] =	ssyncset.done $0x0  }
0xa6: {  	[sflag:s22] =	ssyncadd.s32 s6;
	_ =	sdelay $0x1  }
0xa7: {  	s23 =	simm.s32 $0x1B8B  }
0xa8: {  	_ =	swait.ge [sflag:s23], $0x1  }
0xa9: {  	[sflag:s23] =	ssyncset.done $0x0  }
0xaa: {  	s25 =	simm.s32 $0x1B8E;
	s24 =	sld [smem:$0x3FFE];
	[sflag:s23] =	ssyncadd.s32 $0xFFFFFFFF  }
0xab: {  	s26 =	simm.s32 $execute0_lowered;
	[smem:$0x3FD2] =	sst s25  }
0xac: {  	s7 =	sshll.u32 s26, $0x1;
	_ =	strace $0x80000049;
	[dreg:$0x1] =	wrdreg $0xFFFFFFFF  }
0xad: {  	s28 =	simm.s32 $_size_execute0_lowered;
	s5 =	sadd.s32 s5, s7;
	[dreg:$0x0] =	wrdreg $0x0  }
0xae: {  	s7 =	sshll.u32 s28, $0x1;
	[dreg:$0x2] =	wrdreg s5  }
0xaf: {  	[dreg:$0x3] =	wrdreg s7  }
0xb0: {  	[dreg:$0x4] =	wrdreg $0xC0  }
0xb1: {  	_ =	task [dreg:s9], $0x5FFFF  }
0xb2: {  	[dreg:$0x1] =	wrdreg $0xFFFFFFFF  }
0xb3: {  	[dreg:$0x0] =	wrdreg $0x60  }
0xb4: {  	[dreg:$0x2] =	wrdreg s17  }
0xb5: {  	[dreg:$0x3] =	wrdreg s15  }
0xb6: {  	[dreg:$0x4] =	wrdreg s24  }
0xb7: {  	[dreg:$0x5] =	wrdreg s16  }
0xb8: {  	[dreg:$0x6] =	wrdreg $0xA2000  }
0xb9: {  	[dreg:$0x7] =	wrdreg $0x9  }
0xba: {  	_ =	task.clear_ibuf [dreg:s9], $0x8FFFF;
	_ =	strace $0x90000049  }
0xbb: {  	s29 =	simm.s32 $0x9;
	_ =	strace $0x8000004B  }
0xbc: {  	_ =	swait.ge [sflag:s29], $0x1  }
0xbd: {  	[sflag:s29] =	ssyncadd.s32 $0xFFFFFFFF  }
0xbe: {  	_ =	strace $0x9000004B  }
0xbf: {  	_ =	sfence  }
0xc0: {  	s30 =	sld [smem:$0x0];
	_ =	sdelay $0x2  }
0xc1: {  	s31 =	sshll.u32 s1, $0xD;
	s1 =	sshrl.u32 s1, $0x2  }
0xc2: {  	s3 =	sand.u32 $0x4000, s31;
	s1 =	sadd.s32 s1, s30  }
0xc3: {  	s0 =	sor.u32 s3, s0;
	s1 =	sshll.u32 s1, $0x11  }
0xc4: {  	s0 =	sor.u32 s1, s0  }
0xc5: {  	s0 =	sadd.s32 $0x8F2B, s0  }
0xc6: {  	[sflag:s0] =	ssyncadd.remote.s32 $0x1  }
0xc7: {  	_ =	sfence.sel $0xFFFF  }
0xc8: {  	[dreg:$0x0] =	wrdreg $0xFFFFFFFF;
	(pc) =	sbr.abs _section_cstart, $3  }
0xc9: {  	[dreg:$0x1] =	wrdreg $0xFFFFFFFF  }
0xca: {  	_ =	task.clear_ibuf [dreg:s9], $0x2FFFF;
	_ =	strace $0x9FFFFFFF  }
0xcb: {  	(tm) =	ssettm $0x7FFFFFFF  }
tec
execute0_lowered:
.L_overlay_start_1:
0x0: {  	(tag) =	ssettag $0x1  }
0x1: {  	s0 =	rddreg [dreg:$0x0]  }
0x2: {  	s2 =	rddreg [dreg:$0x1]  }
0x3: {  	s4 =	rddreg [dreg:$0x2]  }
0x4: {  	s7 =	rddreg [dreg:$0x3]  }
0x5: {  	s1 =	rddreg [dreg:$0x4]  }
0x6: {  	s3 =	simm.s32 $0x0;
	s5 =	srdreg.scid;
	s19 =	stileid.u32  }
0x7: {  	s28 =	simm.s32 $0x0;
	[smem:$0x7FF] =	sst s3;
	s6 =	smul.u32 $0x50000, s19  }
0x8: {  	s8 =	sand.u32 $0x1, s5;
	s4 =	sadd.s32 $0x3200, s4;
	s9 =	smul.u32 $0x2710, s19  }
0x9: {  	s10 =	smul.u32 $0x271000, s19;
	s25 =	sshll.u32 s19, $0x6;
	p0 =	seq.s32 s19, $0xF  }
0xa: {  	_ =	strace $0x8000004A;
	s5 =	ssub.s32 $0x2, s8;
	[dreg:$0x6] =	wrdreg s4  }
0xb: {  	s13 =	sshll.u32 s8, $0xA;
	s8 =	sshll.u32 s8, $0x7;
	s23 =	sshrl.u32 s5, $0x1  }
0xc: {  	s24 =	sshrl.u32 s6, $0x2;
	s6 =	sor.u32 $0x1C09, s25;
	s16 =	sor.u32 s13, s10  }
0xd: {  	s26 =	sadd.s32 $0x50, s9;
	s11 =	sshrl.u32 s9, $0x3;
	s25 =	smul.u32 $0x4E2, s19  }
0xe: {  	s4 =	ssub.s32 s5, s23;
	s5 =	sadd.s32 s24, s1;
	s12 =	sshrl.u32 s16, $0x3  }
0xf: {  	s14 =	sshll.u32 s26, $0x8;
	s11 =	sadd.s32 s2, s11;
	s10 =	sshrl.u32 s26, $0x3  }
0x10: {  	s26 =	sadd.s32 $0xF000, s16;
	[dreg:$0x7] =	wrdreg s11;
	s29 =	sadd.s32 s0, s12  }
0x11: {  	s12 =	sor.u32 s13, s14;
	s14 =	sadd.s32 $0xA0, s9;
	s10 =	sadd.s32 s2, s10  }
0x12: {  	s9 =	sadd.s32 $0xF0, s9;
	[dreg:$0x8] =	wrdreg s29;
	s11 =	sshrl.u32 s12, $0x3  }
0x13: {  	[dreg:$0x9] =	wrdreg s10;
	s17 =	sshll.u32 s14, $0x8;
	s12 =	sshrl.u32 s14, $0x3  }
0x14: {  	s29 =	sshrl.u32 s26, $0x3;
	s26 =	simm.s32 $0x5;
	s15 =	sadd.s32 s0, s11  }
0x15: {  	s11 =	sor.u32 s13, s17;
	s17 =	smul.u32 $0x28000, s19;
	s20 =	sadd.s32 s2, s12  }
0x16: {  	s30 =	sadd.s32 s29, s0;
	[dreg:$0xa] =	wrdreg s15;
	s18 =	sshrl.u32 s11, $0x3  }
0x17: {  	s15 =	sshll.u32 s9, $0x8;
	[dreg:$0xb] =	wrdreg s20;
	s9 =	sshrl.u32 s9, $0x3  }
0x18: {  	s20 =	simm.s32 $0x9;
	s21 =	sadd.s32 s0, s18;
	s22 =	sor.u32 s13, s15  }
0x19: {  	s23 =	sor.u32 s13, s17;
	s9 =	sadd.s32 s2, s9;
	s18 =	sadd.s32 $0x12C000, s1  }
0x1a: {  	s2 =	sadd.s32 s25, s2;
	s17 =	smax.u32 s4, $0x1;
	[dreg:$0xc] =	wrdreg s21  }
0x1b: {  	s14 =	sshrl.u32 s22, $0x3;
	[dreg:$0xd] =	wrdreg s9;
	s24 =	sshrl.u32 s23, $0x3  }
0x1c: {  	s31 =	sadd.s32 $0x1E, s2;
	s21 =	simm.s32 $0x400;
	s22 =	simm.s32 $0x800  }
0x1d: {  	s25 =	sshrl.u32 @p0 s18, $0x3;
	s2 =	simm.s32 $0x6;
	s23 =	simm.s32 $0x7  }
0x1e: {  	s14 =	sadd.s32 s0, s14;
	s15 =	sadd.s32 s7, s24;
	s7 =	sadd.s32 s8, s7  }
0x1f: {  	s0 =	simm.s32 $0x50;
	s24 =	simm.s32 $0x8;
	s16 =	sadd.s32 $0x4B000, s7  }
.LBB2_1:
0x20: {  	s4 =	sshrl.u32 s5, $0x3;
	s7 =	rddreg [dreg:$0x6]  }
0x21: {  	[spmem:s4], [sflag:s6] =	dma.local [hbm:s7], $0x2800  }
0x22: {  	_ =	swait.ge [sflag:s20], $0x2800  }
0x23: {  	[sflag:s20] =	ssyncset.done $0x0  }
0x24: {  	[sflag:s20] =	ssyncadd.s32 $0xFFFFD800  }
0x25: {  	[bflag:$0x0] =	sbarrier.arrive $0xFFFF  }
0x26: {  	s7 =	rddreg [dreg:$0x7]  }
0x27: {  	[tilespmem:s3], [sflag:$0x1] =	stream.linear.gather [hbm4b:s7+s3], $0x50, $0x38;
	[tilespmem:$0x1E200] =	vst v63  }
0x28: {  	s9 =	simm.s32 $0x200;
	s8 =	rddreg [dreg:$0x8]  }
0x29: {  	[tilespmem:s9], [sflag:$0x1] =	stream.strided.gather [hbm4b:s8+s21], $0x2800, s22, s21, $0x38;
	[tilespmem:$0x1E200] =	vst v63  }
0x2a: {  	s11 =	simm.s32 $0x80;
	s10 =	rddreg [dreg:$0x9]  }
0x2b: {  	[tilespmem:s11], [sflag:$0x2] =	stream.linear.gather [hbm4b:s10+s3], $0x50, $0x38;
	[tilespmem:$0x1E200] =	vst v63  }
0x2c: {  	s13 =	simm.s32 $0x2A00;
	s19 =	simm.s32 $0x100;
	s12 =	rddreg [dreg:$0xa]  }
0x2d: {  	[tilespmem:s13], [sflag:$0x2] =	stream.strided.gather [hbm4b:s12+s21], $0x2800, s22, s21, $0x38;
	[tilespmem:$0x1E200] =	vst v63  }
0x2e: {  	s29 =	simm.s32 $0x0;
	p1 =	por $0x1, $0x1;
	s18 =	rddreg [dreg:$0xb]  }
0x2f: {  	[tilespmem:s19], [sflag:$0x3] =	stream.linear.gather [hbm4b:s18+s3], $0x50, $0x38;
	[tilespmem:$0x1E200] =	vst v63  }
0x30: {  	s7 =	rddreg [dreg:$0xc];
	s8 =	simm.s32 $0x5200;
	s12 =	sand.u32 $0x3, s29  }
0x31: {  	[tilespmem:s8], [sflag:$0x3] =	stream.strided.gather [hbm4b:s7+s21], $0x2800, s22, s21, $0x38;
	[tilespmem:$0x1E200] =	vst v63  }
0x32: {  	s9 =	rddreg [dreg:$0xd];
	s10 =	simm.s32 $0x180;
	s8 =	smul.u32 $0xA000, s12  }
0x33: {  	[tilespmem:s10], [sflag:$0x4] =	stream.linear.gather [hbm4b:s9+s3], $0x50, $0x38;
	[tilespmem:$0x1E200] =	vst v63  }
0x34: {  	s11 =	simm.s32 $0x7A00;
	s13 =	sadd.s32 $0x1, s12;
	s8 =	sshrl.u32 s8, $0x2  }
0x35: {  	[tilespmem:s11], [sflag:$0x4] =	stream.strided.gather [hbm4b:s14+s21], $0x2800, s22, s21, $0x38;
	[tilespmem:$0x1E200] =	vst v63  }
0x36: {  	s9 =	sor.u32 $0x200, s8;
	s8 =	simm.s32 @!p1 $0x3;
	_ =	swait.ge [sflag:s13], $0x50  }
0x37: {  	s19 =	sand.u32 @!p1 $0x3, s8;
	[sflag:s13] =	ssyncset.done $0x0  }
0x38: {  	s7 =	smul.u32 @!p1 $0xA000, s19;
	[sflag:s13] =	ssyncadd.s32 $0xFFFFFFB0  }
0x39: {  	s4 =	sshll.u32 s12, $0x7;
	_ =	swait.ge [sflag:s13], $0x2800  }
0x3a: {  	s18 =	sadd.s32 $0x5, s12;
	s7 =	sshrl.u32 @!p1 s7, $0x2;
	[sflag:s13] =	ssyncset.done $0x0  }
0x3b: {  	s8 =	sadd.s32 @!p1 $0x5, s19;
	s7 =	sor.u32 @!p1 $0x200, s7;
	[sflag:s13] =	ssyncadd.s32 $0xFFFFD800  }
0x3c: {  	[spmem:s1] =	stream.indirect.scatter.add.f32 [tilespmem:s9], [sflag:s18], $0x80, s4, s0, $0xb8;
	[tilespmem:$0x1E200] =	vst v63  }
0x3d: {  	s4 =	sadd.s32 @!p1 $0x1, s19;
	s9 =	sshll.u32 @!p1 s19, $0x7;
	_ =	swait.ge @!p1 [sflag:s8], $0x2800  }
0x3e: {  	s19 =	smov.u32 s31;
	s18 =	smov.u32 s30;
	[sflag:s8] =	ssyncset.done @!p1 $0x0  }
.LBB2_2:
0x3f: {  	[sflag:s8] =	ssyncadd.s32 @!p1 $0xFFFFD800  }
0x40: {  	s8 =	simm.s32 @!p1 $0x0;
	s10 =	smov.u32 s29;
	s29 =	sadd.s32 $0x1, s29  }
0x41: {  	[tilespmem:s9], [sflag:s4] =	stream.linear.gather @!p1 [hbm4b:s19+s8], $0x50, $0x38;
	[tilespmem:$0x1E200] =	vst v63  }
0x42: {  	s11 =	simm.s32 @!p1 $0x800;
	s8 =	sand.u32 $0x3, s29;
	s9 =	simm.s32 @!p1 $0x400  }
0x43: {  	p2 =	sne.s32 s29, $0x7C;
	s12 =	sadd.s32 $0x1, s8;
	s13 =	smul.u32 $0xA000, s8  }
0x44: {  	[tilespmem:s7], [sflag:s4] =	stream.strided.gather @!p1 [hbm4b:s18+s9], $0x2800, s11, s9, $0x38;
	[tilespmem:$0x1E200] =	vst v63  }
0x45: {  	s4 =	sshrl.u32 s13, $0x2;
	s18 =	sadd.s32 $0xA00, s18;
	_ =	swait.ge [sflag:s12], $0x50  }
0x46: {  	s19 =	sadd.s32 $0xA, s19;
	s4 =	sor.u32 $0x200, s4;
	[sflag:s12] =	ssyncset.done $0x0  }
0x47: {  	s7 =	sadd.s32 $0x5, s8;
	p1 =	sgt.u32 s10, $0x78;
	[sflag:s12] =	ssyncadd.s32 $0xFFFFFFB0  }
0x48: {  	s9 =	sshll.u32 s8, $0x7;
	s8 =	sadd.s32 @!p1 $0x4, s10;
	_ =	swait.ge [sflag:s12], $0x2800  }
.Ltmp0:
0x49: {  	s10 =	sand.u32 @!p1 $0x3, s8;
	[sflag:s12] =	ssyncset.done $0x0;
	(pc) =	sbr.rel @p2 .LBB2_2-.Ltmp0, $4  }
0x4a: {  	s8 =	sadd.s32 @!p1 $0x5, s10;
	s11 =	smul.u32 @!p1 $0xA000, s10;
	[sflag:s12] =	ssyncadd.s32 $0xFFFFD800  }
0x4b: {  	[spmem:s1] =	stream.indirect.scatter.add.f32 [tilespmem:s4], [sflag:s7], $0x80, s9, s0, $0xb8;
	[tilespmem:$0x1E200] =	vst v63  }
0x4c: {  	s4 =	sadd.s32 @!p1 $0x1, s10;
	s7 =	sshrl.u32 @!p1 s11, $0x2;
	_ =	swait.ge @!p1 [sflag:s8], $0x2800  }
0x4d: {  	s9 =	sshll.u32 @!p1 s10, $0x7;
	s7 =	sor.u32 @!p1 $0x200, s7;
	[sflag:s8] =	ssyncset.done @!p1 $0x0  }
0x4e: {  	[sflag:s8] =	ssyncadd.s32 @!p1 $0xFFFFD800;
	s8 =	simm.s32 @!p1 $0x0  }
0x4f: {  	[tilespmem:s9], [sflag:s4] =	stream.linear.gather @!p1 [hbm4b:s19+s8], $0x50, $0x38;
	[tilespmem:$0x1E200] =	vst v63  }
0x50: {  	s8 =	simm.s32 @!p1 $0x400;
	s9 =	simm.s32 @!p1 $0x800  }
0x51: {  	[tilespmem:s7], [sflag:s4] =	stream.strided.gather @!p1 [hbm4b:s18+s8], $0x2800, s9, s8, $0x38;
	[tilespmem:$0x1E200] =	vst v63  }
0x52: {  	_ =	swait.ge [sflag:s2], $0x2800  }
0x53: {  	[sflag:s2] =	ssyncset.done $0x0  }
0x54: {  	[sflag:s2] =	ssyncadd.s32 $0xFFFFD800  }
0x55: {  	_ =	swait.ge [sflag:s23], $0x2800  }
0x56: {  	[sflag:s23] =	ssyncset.done $0x0  }
0x57: {  	[sflag:s23] =	ssyncadd.s32 $0xFFFFD800  }
0x58: {  	_ =	swait.ge [sflag:s24], $0x2800  }
0x59: {  	[sflag:s24] =	ssyncset.done $0x0  }
0x5a: {  	[sflag:s24] =	ssyncadd.s32 $0xFFFFD800  }
0x5b: {  	_ =	swait.ge [sflag:s26], $0x2800  }
0x5c: {  	[sflag:s26] =	ssyncset.done $0x0  }
0x5d: {  	s4 =	simm.s32 @p0 $0x8;
	[sflag:s26] =	ssyncadd.s32 $0xFFFFD800  }
0x5e: {  	s7 =	simm.s32 @p0 $0x100;
	s8 =	simm.s32 @p0 $0x80;
	[bflag:$0x0] =	sbarrier.arrive $0xFFFF  }
0x5f: {  	[hbm:s16@s7], [sflag:s6] =	dma.strided @p0 [spmem:s25@s8], $0x1900, s4, $0x10   }
0x60: {  	s4 =	simm.s32 @p0 $0x9  }
0x61: {  	s28 =	sadd.s32 $0x1, s28;
	s9 =	simm.s32 @!p0 $0x80;
	_ =	swait.ge @p0 [sflag:s4], $0x1900  }
0x62: {  	p1 =	sne.s32 s28, s17;
	s7 =	simm.s32 @!p0 $0x8;
	[sflag:s4] =	ssyncset.done @p0 $0x0  }
0x63: {  	s8 =	simm.s32 @!p0 $0x100;
	[sflag:s4] =	ssyncadd.s32 @p0 $0xFFFFE700;
	s4 =	sshrl.u32 @!p0 s5, $0x3  }
0x64: {  	[hbm:s15@s8], [sflag:s6] =	dma.strided @!p0 [spmem:s4@s9], $0x2800, s7, $0x10   }
.Ltmp1:
0x65: {  	_ = 	snop;
	(pc) =	sbr.rel @p1 .LBB2_1-.Ltmp1, $4  }
0x66: {  	s4 =	simm.s32 @!p0 $0x9  }
0x67: {  	_ =	swait.ge @!p0 [sflag:s4], $0x2800  }
0x68: {  	[sflag:s4] =	ssyncset.done @!p0 $0x0  }
0x69: {  	[sflag:s4] =	ssyncadd.s32 @!p0 $0xFFFFD800  }
0x6a: {  	_ =	sfence.sel $0x180000  }
0x6b: {  	[bflag:$0x0] =	sbarrier.arrive $0xFFFF  }
0x6c: {  	_ =	strace $0x9000004A  }
0x6d: {  	s0 =	stileid.u32;
	[bflag:$0x2] =	sbarrier.arrive $0xFFFF  }
0x6e: {  	p0 =	sne.s32 s0, $0x0;
	s0 =	rddreg [dreg:$0x5]  }
0x6f: {  	s0 =	sadd.s32 @!p0 $0x100000, s0  }
0x70: {  	[sflag:s0] =	ssyncadd.tile.s32 @!p0 $0x1;
	_ =	shalt  }
.Lfunc_end2:
_tile_overlayer_lowered:
.L_overlay_start_2:
0x71: {  	(tag) =	ssettag $0x2  }
0x72: {  	s0 =	rddreg [dreg:$0x0];
	s2 =	stileid.u32  }
0x73: {  	s1 =	rddreg [dreg:$0x1];
	p0 =	sne.s32 s2, $0x0  }
0x74: {  	s3 =	rddreg [dreg:$0x2];
	[bflag:$0x3] =	sbarrier.arrive $0xFFFF;
	s2 =	simm.s32 @!p0 $0x1C09  }
0x75: {  	[timem:s3], [sflag:s2] =	dma.local @!p0 [hbm:s0], s1  }
0x76: {  	s0 =	simm.s32 @!p0 $0x9  }
0x77: {  	_ =	swait.ge @!p0 [sflag:s0], s1  }
0x78: {  	s1 =	ssub.s32 @!p0 $0x0, s1;
	[sflag:s0] =	ssyncset.done @!p0 $0x0  }
0x79: {  	[sflag:s0] =	ssyncadd.s32 @!p0 s1  }
0x7a: {  	[bflag:$0x3] =	sbarrier.arrive $0xFFFF  }
0x7b: {  	_ =	shalt  }

// kernel: kernel.7.cloned.1.call-start
scs
__scs_entry_jumppad:
0x0: {  	(pc) =	sbr.rel $0x88, $3  }
0x1: {  	(tag) =	ssettag $0x0;
	lr =	simm.s32 $0x1  }
0x2: {  	[smem:$0x3F95] =	sst lr;
	_ =	strace $0xD0000000  }
0x3: {  	_ = 	snop  }
0x4: {  	_ = 	snop  }
0x5: {  	_ = 	snop  }
0x6: {  	_ = 	snop  }
0x7: {  	_ = 	snop  }
__scs_overlays_trampoline_lowered:
0x8: {  	[smem:$0x3FA4] =	sst s0  }
0x9: {  	[smem:$0x3FA5] =	sst s1  }
0xa: {  	[smem:$0x3FA6] =	sst s2  }
0xb: {  	[smem:$0x3FA7] =	sst s3  }
0xc: {  	[smem:$0x3FA8] =	sst s4  }
0xd: {  	[smem:$0x3FA9] =	sst s5  }
0xe: {  	[smem:$0x3FAA] =	sst s6  }
0xf: {  	[smem:$0x3FAB] =	sst s7  }
0x10: {  	[smem:$0x3FAC] =	sst s8  }
0x11: {  	[smem:$0x3FAD] =	sst s9;
	s0 =	simm.s32 @!p0 $0x0  }
0x12: {  	s1 =	sld [smem:$0x3F93];
	s0 =	simm.s32 @p0 $0x1  }
0x13: {  	[smem:$0x3FAE] =	sst s0;
	s0 =	simm.s32 @!p1 $0x0  }
0x14: {  	s2 =	sld [smem:$0x3F92];
	s0 =	simm.s32 @p1 $0x1  }
0x15: {  	[smem:$0x3FAF] =	sst s0;
	s0 =	simm.s32 @!p2 $0x0  }
0x16: {  	s3 =	sld [smem:$0x3FDB];
	s0 =	simm.s32 @p2 $0x1  }
0x17: {  	s4 =	simm.s32 $0x1BF5;
	[smem:$0x3FB1] =	sst s0  }
0x18: {  	s0 =	sld [smem:$0x3F94];
	_ =	swait.ge [sflag:s4], $0x0  }
0x19: {  	s7 =	sld [smem:$0x3F95]  }
0x1a: {  	s8 =	sadd.s32 $0xFFFFE003, lr  }
0x1b: {  	s9 =	sadd.s32 $0xFFFFFEF7, lr;
	s5 =	simm.s32 $0xFFFFFFFF;
	p2 =	slt.u32 s8, $0xFFFFF086  }
0x1c: {  	p1 =	slt.u32 s9, $0xF7A;
	s5 =	simm.s32 @!p2 $0x0  }
0x1d: {  	s5 =	simm.s32 @p1 $0x1;
	p0 =	seq.s32 s7, s2  }
0x1e: {  	s7 =	smul.u32 @!p0 $0xF7A, s2;
	p2 =	seq.s32 @!p0 s5, $0x0  }
0x1f: {  	s9 =	smul.u32 $0xF7A, s1;
	s8 =	simm.s32 @!p0 $0x1BF5;
	p2 =	por !p2, p0  }
0x20: {  	[sflag:s8] =	ssyncset.s32 @!p0 $0xFFFFF086;
	s6 =	sadd.s32 @!p0 s3, s7;
	s7 =	simm.s32 @!p0 $0x108  }
0x21: {  	s3 =	sadd.s32 s3, s9;
	s6 =	sadd.s32 @!p0 $0x88, s6;
	s7 =	simm.s32 @p2 $0x1082  }
0x22: {  	[simem:s7], [sflag:s8] =	dma.local @!p0 [hbm:s6], $0xF7A  }
0x23: {  	s9 =	sor.u32 $0xD0000000, s2;
	s6 =	simm.s32 $0x108;
	_ =	swait.ge @!p0 [sflag:s8], $0x0  }
0x24: {  	s3 =	sadd.s32 $0x88, s3;
	s6 =	simm.s32 @!p1 $0x1082;
	[sflag:s4] =	ssyncset.s32 $0xFFFFF086  }
0x25: {  	[simem:s6], [sflag:s4] =	dma.local [hbm:s3], $0xF7A  }
0x26: {  	[smem:$0x3F95] =	sst s1;
	(tag) =	ssettag s2;
	_ =	strace s9  }
0x27: {  	s1 =	sld [smem:$0x3FA5]  }
0x28: {  	s2 =	sld [smem:$0x3FA6]  }
0x29: {  	s4 =	sld [smem:$0x3FA8]  }
0x2a: {  	p0 =	seq.s32 s5, $0x0;
	s5 =	sld [smem:$0x3FA9]  }
0x2b: {  	s6 =	sld [smem:$0x3FAA]  }
0x2c: {  	s7 =	sld [smem:$0x3FAB]  }
0x2d: {  	s3 =	simm.s32 $0x108;
	s8 =	sld [smem:$0x3FAC]  }
0x2e: {  	s3 =	simm.s32 @!p0 $0x1082;
	s9 =	sld [smem:$0x3FAD]  }
0x2f: {  	lr =	sadd.s32 s0, s3;
	s0 =	sld [smem:$0x3FA4]  }
0x30: {  	s3 =	sld [smem:$0x3FA7]  }
0x31: {  	[smem:$0x3FB0] =	sst s10  }
0x32: {  	s10 =	sld [smem:$0x3FAE];
	_ =	sdelay $0x3  }
0x33: {  	p0 =	seq.s32 s10, $0x1;
	s10 =	sld [smem:$0x3FB0];
	_ =	sdelay $0x3  }
0x34: {  	[smem:$0x3FB0] =	sst s10  }
0x35: {  	s10 =	sld [smem:$0x3FAF];
	_ =	sdelay $0x3  }
0x36: {  	p1 =	seq.s32 s10, $0x1;
	s10 =	sld [smem:$0x3FB0];
	_ =	sdelay $0x3  }
0x37: {  	[smem:$0x3FB0] =	sst s10  }
0x38: {  	s10 =	sld [smem:$0x3FB1]  }
0x39: {  	_ = 	snop;
	(pc) =	sbr.ind lr, $3  }
0x3a: {  	_ = 	snop  }
0x3b: {  	_ = 	snop  }
0x3c: {  	p2 =	seq.s32 s10, $0x1;
	s10 =	sld [smem:$0x3FB0]  }
0x3d: {  	_ =	shalt  }
0x3e: {  	_ =	shalt  }
0x3f: {  	_ =	shalt  }
0x40: {  	_ =	shalt  }
0x41: {  	_ =	shalt  }
0x42: {  	_ =	shalt  }
0x43: {  	_ =	shalt  }
0x44: {  	_ =	shalt  }
0x45: {  	_ =	shalt  }
0x46: {  	_ =	shalt  }
0x47: {  	_ =	shalt  }
0x48: {  	_ =	shalt  }
0x49: {  	_ =	shalt  }
0x4a: {  	_ =	shalt  }
0x4b: {  	_ =	shalt  }
0x4c: {  	_ =	shalt  }
0x4d: {  	_ =	shalt  }
0x4e: {  	_ =	shalt  }
0x4f: {  	_ =	shalt  }
0x50: {  	_ =	shalt  }
0x51: {  	_ =	shalt  }
0x52: {  	_ =	shalt  }
0x53: {  	_ =	shalt  }
0x54: {  	_ =	shalt  }
0x55: {  	_ =	shalt  }
0x56: {  	_ =	shalt  }
0x57: {  	_ =	shalt  }
0x58: {  	_ =	shalt  }
0x59: {  	_ =	shalt  }
0x5a: {  	_ =	shalt  }
0x5b: {  	_ =	shalt  }
0x5c: {  	_ =	shalt  }
0x5d: {  	_ =	shalt  }
0x5e: {  	_ =	shalt  }
0x5f: {  	_ =	shalt  }
0x60: {  	_ =	shalt  }
0x61: {  	_ =	shalt  }
0x62: {  	_ =	shalt  }
0x63: {  	_ =	shalt  }
0x64: {  	_ =	shalt  }
0x65: {  	_ =	shalt  }
0x66: {  	_ =	shalt  }
0x67: {  	_ =	shalt  }
0x68: {  	_ =	shalt  }
0x69: {  	_ =	shalt  }
0x6a: {  	_ =	shalt  }
0x6b: {  	_ =	shalt  }
0x6c: {  	_ =	shalt  }
0x6d: {  	_ =	shalt  }
0x6e: {  	_ =	shalt  }
0x6f: {  	_ =	shalt  }
0x70: {  	_ =	shalt  }
0x71: {  	_ =	shalt  }
0x72: {  	_ =	shalt  }
0x73: {  	_ =	shalt  }
0x74: {  	_ =	shalt  }
0x75: {  	_ =	shalt  }
0x76: {  	_ =	shalt  }
0x77: {  	_ =	shalt  }
0x78: {  	_ =	shalt  }
0x79: {  	_ =	shalt  }
0x7a: {  	_ =	shalt  }
0x7b: {  	_ =	shalt  }
0x7c: {  	_ =	shalt  }
0x7d: {  	_ =	shalt  }
0x7e: {  	_ =	shalt  }
0x7f: {  	_ =	shalt  }
0x80: {  	_ =	shalt  }
0x81: {  	_ =	shalt  }
0x82: {  	_ =	shalt  }
0x83: {  	_ =	shalt  }
0x84: {  	_ =	shalt  }
0x85: {  	_ =	shalt  }
0x86: {  	_ =	shalt  }
0x87: {  	_ =	shalt  }
.Lfunc_end0:
.L_simem_size_0:
called_computation_lowered:
.L_overlay_start_0:
0x88: {  	s2 =	sld [smem:$0x3FD9]  }
0x89: {  	s3 =	sld [smem:$0x3FFE];
	_ =	sdelay $0x1  }
0x8a: {  	s1 =	srdreg.scid  }
0x8b: {  	s0 =	sand.u32 $0x1, s1  }
0x8c: {  	s14 =	sshll.u32 s0, $0xA;
	s2 =	sadd.s32 s3, s2  }
0x8d: {  	s2 =	sadd.s32 s2, s14  }
0x8e: {  	[smem:$0x3FBC] =	sst s2  }
0x8f: {  	_ = 	snop  }
0x90: {  	s2 =	sld [smem:$0x3FD0];
	_ =	sdelay $0x1  }
0x91: {  	s15 =	sld [smem:$0x3FC7]  }
0x92: {  	s5 =	simm.s32 $0xA;
	s6 =	simm.s32 $0x10;
	s4 =	sld [smem:$0x3FC6]  }
0x93: {  	[smem:s6], [sflag:s5] =	dma.local [hbm:s2], $0x1  }
0x94: {  	_ =	swait.eq [sflag:s5], $0x1  }
0x95: {  	[sflag:s5] =	ssyncset.done $0x0  }
0x96: {  	[sflag:s5] =	ssyncadd.s32 $0xFFFFFFFF  }
0x97: {  	s16 =	sld [smem:$0x10];
	(tm) =	ssettm $0x1  }
0x98: {  	s17 =	sld [smem:$0x3FFB];
	_ =	sdelay $0x3  }
0x99: {  	_ =	strace s17  }
0x9a: {  	s5 =	sld [smem:$0x3FFC];
	_ =	sdelay $0x3  }
0x9b: {  	_ =	strace s5  }
0x9c: {  	s5 =	sld [smem:$0x3FFD];
	_ =	sdelay $0x3  }
0x9d: {  	_ =	strace s5  }
0x9e: {  	_ =	strace $0x8FFFFFFF  }
0x9f: {  	s18 =	sld [smem:$0x3FDB];
	_ =	sdelay $0x1  }
0xa0: {  	s19 =	simm.s32 $_scs_section_size  }
0xa1: {  	s7 =	simm.s32 $_size__tile_overlayer_lowered;
	s8 =	simm.s32 $_tile_overlayer_lowered  }
0xa2: {  	s22 =	simm.s32 $0x1BFF;
	s21 =	sshll.u32 s8, $0x1;
	s5 =	sadd.s32 s19, s18  }
0xa3: {  	s9 =	simm.s32 $0x0;
	s20 =	sshll.u32 s7, $0x1;
	s7 =	sadd.s32 s21, s5  }
0xa4: {  	[timem:s9], [sflag:s22] =	dma.local [hbm:s7], s20  }
0xa5: {  	_ =	swait.ge [sflag:s22], s20  }
0xa6: {  	s6 =	ssub.s32 $0x0, s20;
	[sflag:s22] =	ssyncset.done $0x0  }
0xa7: {  	[sflag:s22] =	ssyncadd.s32 s6;
	_ =	sdelay $0x1  }
0xa8: {  	s23 =	simm.s32 $0x1B8B  }
0xa9: {  	_ =	swait.ge [sflag:s23], $0x1  }
0xaa: {  	[sflag:s23] =	ssyncset.done $0x0  }
0xab: {  	s25 =	simm.s32 $0x1B8E;
	s24 =	sld [smem:$0x3FFE];
	[sflag:s23] =	ssyncadd.s32 $0xFFFFFFFF  }
0xac: {  	s26 =	simm.s32 $execute0_lowered;
	[smem:$0x3FD2] =	sst s25  }
0xad: {  	s7 =	sshll.u32 s26, $0x1;
	_ =	strace $0x80000046;
	[dreg:$0x1] =	wrdreg $0xFFFFFFFF  }
0xae: {  	s28 =	simm.s32 $_size_execute0_lowered;
	s5 =	sadd.s32 s5, s7;
	[dreg:$0x0] =	wrdreg $0x0  }
0xaf: {  	s7 =	sshll.u32 s28, $0x1;
	[dreg:$0x2] =	wrdreg s5  }
0xb0: {  	[dreg:$0x3] =	wrdreg s7  }
0xb1: {  	[dreg:$0x4] =	wrdreg $0xC0  }
0xb2: {  	_ =	task [dreg:s9], $0x5FFFF  }
0xb3: {  	[dreg:$0x1] =	wrdreg $0xFFFFFFFF  }
0xb4: {  	[dreg:$0x0] =	wrdreg $0x60  }
0xb5: {  	[dreg:$0x2] =	wrdreg s16  }
0xb6: {  	[dreg:$0x3] =	wrdreg s15  }
0xb7: {  	[dreg:$0x4] =	wrdreg s4  }
0xb8: {  	[dreg:$0x5] =	wrdreg s24  }
0xb9: {  	[dreg:$0x6] =	wrdreg $0x9  }
0xba: {  	_ =	task.clear_ibuf [dreg:s9], $0x7FFFF;
	_ =	strace $0x90000046  }
0xbb: {  	s29 =	simm.s32 $0x9;
	_ =	strace $0x80000048  }
0xbc: {  	_ =	swait.ge [sflag:s29], $0x1  }
0xbd: {  	[sflag:s29] =	ssyncadd.s32 $0xFFFFFFFF  }
0xbe: {  	_ =	strace $0x90000048  }
0xbf: {  	_ =	sfence  }
0xc0: {  	s30 =	sld [smem:$0x0];
	_ =	sdelay $0x2  }
0xc1: {  	s31 =	sshll.u32 s1, $0xD;
	s1 =	sshrl.u32 s1, $0x2  }
0xc2: {  	s3 =	sand.u32 $0x4000, s31;
	s1 =	sadd.s32 s1, s30  }
0xc3: {  	s0 =	sor.u32 s3, s0;
	s1 =	sshll.u32 s1, $0x11  }
0xc4: {  	s0 =	sor.u32 s1, s0  }
0xc5: {  	s0 =	sadd.s32 $0x8F2B, s0  }
0xc6: {  	[sflag:s0] =	ssyncadd.remote.s32 $0x1  }
0xc7: {  	_ =	sfence.sel $0xFFFF  }
0xc8: {  	[dreg:$0x0] =	wrdreg $0xFFFFFFFF;
	(pc) =	sbr.abs _section_cstart, $3  }
0xc9: {  	[dreg:$0x1] =	wrdreg $0xFFFFFFFF  }
0xca: {  	_ =	task.clear_ibuf [dreg:s9], $0x2FFFF;
	_ =	strace $0x9FFFFFFF  }
0xcb: {  	(tm) =	ssettm $0x7FFFFFFF  }
tec
execute0_lowered:
.L_overlay_start_1:
0x0: {  	(tag) =	ssettag $0x1  }
0x1: {  	s2 =	rddreg [dreg:$0x0]  }
0x2: {  	s4 =	rddreg [dreg:$0x1]  }
0x3: {  	s5 =	rddreg [dreg:$0x2]  }
0x4: {  	s6 =	rddreg [dreg:$0x3];
	s1 =	stileid.u32  }
0x5: {  	s3 =	srdreg.scid;
	s12 =	simm.s32 $0x2800;
	s13 =	simm.s32 $0x8C00  }
0x6: {  	s14 =	simm.s32 $0x190;
	s15 =	simm.s32 $0xF000;
	s16 =	simm.s32 $0x15400  }
0x7: {  	s17 =	simm.s32 $0x6;
	s18 =	simm.s32 $0x7;
	s19 =	simm.s32 $0x8  }
0x8: {  	s20 =	simm.s32 $0x5;
	s21 =	simm.s32 $0x14C8;
	s22 =	simm.s32 $0x1590  }
0x9: {  	s23 =	simm.s32 $0x0;
	s7 =	sand.u32 $0x1, s3;
	s8 =	sshll.u32 s1, $0x1  }
0xa: {  	s3 =	simm.s32 $0x0;
	s9 =	smul.u32 $0x27100, s1;
	s8 =	sor.u32 s7, s8  }
0xb: {  	[smem:$0x7FF] =	sst s3;
	s10 =	ssub.s32 $0x2, s7;
	s7 =	smul.u32 $0x13880, s7  }
0xc: {  	s8 =	smul.u32 $0x1388, s8;
	_ =	strace $0x80000047;
	s11 =	sshrl.u32 s10, $0x1  }
0xd: {  	s6 =	sadd.s32 s9, s6;
	s9 =	simm.s32 $0x9;
	s30 =	ssub.s32 s10, s11  }
0xe: {  	s31 =	sadd.s32 s7, s6;
	s10 =	simm.s32 $0x1400;
	s11 =	simm.s32 $0xC8  }
0xf: {  	s8 =	sshrl.u32 s8, $0x3;
	s6 =	smax.u32 s30, $0x1;
	s7 =	sadd.s32 $0x3200, s31  }
0x10: {  	s4 =	sadd.s32 s4, s8;
	s5 =	sadd.s32 s5, s8;
	s8 =	sadd.s32 $0x274200, s31  }
.LBB2_1:
0x11: {  	[tilespmem:s3], [sflag:$0x9] =	stream.linear.gather [hbm4b:s4+s3], $0x1388, $0x38;
	[tilespmem:$0x1B800] =	vst v63  }
0x12: {  	_ =	swait.ge [sflag:s9], $0x1388  }
0x13: {  	[sflag:s9] =	ssyncset.done $0x0  }
0x14: {  	[sflag:s9] =	ssyncadd.s32 $0xFFFFEC78  }
0x15: {  	[tilespmem:s10], [sflag:$0x9] =	stream.linear.gather [hbm4b:s5+s3], $0x1388, $0x38;
	[tilespmem:$0x1B800] =	vst v63  }
0x16: {  	_ =	swait.ge [sflag:s9], $0x1388  }
0x17: {  	[sflag:s9] =	ssyncset.done $0x0  }
0x18: {  	[sflag:s9] =	ssyncadd.s32 $0xFFFFEC78  }
0x19: {  	[tilespmem:s12], [sflag:$0x1] =	stream.indirect.gather [hbm4b:s2+s11], $0x80, s3, s11, $0xb8;
	[tilespmem:$0x1B800] =	vst v63  }
0x1a: {  	s24 =	simm.s32 $0x0  }
0x1b: {  	[tilespmem:s13], [sflag:$0x2] =	stream.indirect.gather [hbm4b:s2+s11], $0x80, s11, s11, $0xb8;
	[tilespmem:$0x1B800] =	vst v63  }
0x1c: {  	s25 =	simm.s32 $0x258;
	s26 =	sand.u32 $0x3, s24  }
0x1d: {  	[tilespmem:s15], [sflag:$0x3] =	stream.indirect.gather [hbm4b:s2+s11], $0x80, s14, s11, $0xb8;
	[tilespmem:$0x1B800] =	vst v63  }
0x1e: {  	p0 =	por $0x1, $0x1;
	s28 =	sadd.s32 $0x1, s26;
	s29 =	smul.u32 $0x19000, s26  }
0x1f: {  	[tilespmem:s16], [sflag:$0x4] =	stream.indirect.gather [hbm4b:s2+s11], $0x80, s25, s11, $0xb8;
	[tilespmem:$0x1B800] =	vst v63  }
0x20: {  	s30 =	simm.s32 @!p0 $0x3;
	_ =	swait.ge [sflag:s28], $0x6400  }
0x21: {  	s30 =	sand.u32 @!p0 $0x3, s30;
	s29 =	sshrl.u32 s29, $0x2;
	[sflag:s28] =	ssyncset.done $0x0  }
0x22: {  	s26 =	sadd.s32 $0x5, s26;
	[sflag:s28] =	ssyncadd.s32 $0xFFFF9C00;
	s28 =	sadd.s32 $0x2800, s29  }
0x23: {  	[hbm4b:s7+s3] =	stream.linear.scatter [tilespmem:s28], [sflag:s26], $0x6400, $0x38;
	[tilespmem:$0x1B800] =	vst v63  }
0x24: {  	s31 =	sadd.s32 @!p0 $0x5, s30;
	s28 =	smul.u32 @!p0 $0x19000, s30  }
0x25: {  	s29 =	sadd.s32 @!p0 $0x1, s30;
	s26 =	sadd.s32 $0xC80, s7;
	_ =	swait.ge @!p0 [sflag:s31], $0x6400  }
0x26: {  	[sflag:s31] =	ssyncset.done @!p0 $0x0;
	s30 =	sshrl.u32 @!p0 s28, $0x2;
	s28 =	simm.s32 $0x320  }
0x27: {  	[sflag:s31] =	ssyncadd.s32 @!p0 $0xFFFF9C00;
	s30 =	sadd.s32 @!p0 $0x2800, s30;
	s31 =	simm.s32 @!p0 $0xC8  }
.LBB2_2:
0x28: {  	[tilespmem:s30], [sflag:s29] =	stream.indirect.gather @!p0 [hbm4b:s2+s31], $0x80, s25, s31, $0xb8;
	[tilespmem:$0x1B800] =	vst v63  }
0x29: {  	s29 =	smov.u32 s24;
	s24 =	sadd.s32 $0x1, s24;
	s25 =	smov.u32 s28  }
0x2a: {  	s30 =	sand.u32 $0x3, s24;
	p1 =	sne.s32 s24, $0x18  }
0x2b: {  	p0 =	sgt.u32 s29, $0x14;
	s31 =	sadd.s32 $0x1, s30;
	s0 =	smul.u32 $0x19000, s30  }
0x2c: {  	s29 =	sadd.s32 @!p0 $0x4, s29;
	_ =	swait.ge [sflag:s31], $0x6400  }
0x2d: {  	s29 =	sand.u32 @!p0 $0x3, s29;
	s0 =	sshrl.u32 s0, $0x2;
	[sflag:s31] =	ssyncset.done $0x0  }
0x2e: {  	s30 =	sadd.s32 $0x5, s30;
	s0 =	sadd.s32 $0x2800, s0;
	[sflag:s31] =	ssyncadd.s32 $0xFFFF9C00  }
0x2f: {  	[hbm4b:s26+s3] =	stream.linear.scatter [tilespmem:s0], [sflag:s30], $0x6400, $0x38;
	[tilespmem:$0x1B800] =	vst v63  }
.Ltmp0:
0x30: {  	_ = 	snop;
	(pc) =	sbr.rel @p1 .LBB2_2-.Ltmp0, $4  }
0x31: {  	s0 =	sadd.s32 @!p0 $0x5, s29;
	s30 =	smul.u32 @!p0 $0x19000, s29;
	s29 =	sadd.s32 @!p0 $0x1, s29  }
0x32: {  	s26 =	sadd.s32 $0xC80, s26;
	_ =	swait.ge @!p0 [sflag:s0], $0x6400  }
0x33: {  	s28 =	sadd.s32 $0xC8, s28;
	s30 =	sshrl.u32 @!p0 s30, $0x2;
	[sflag:s0] =	ssyncset.done @!p0 $0x0  }
0x34: {  	s31 =	simm.s32 @!p0 $0xC8;
	s30 =	sadd.s32 @!p0 $0x2800, s30;
	[sflag:s0] =	ssyncadd.s32 @!p0 $0xFFFF9C00  }
0x35: {  	[tilespmem:s30], [sflag:s29] =	stream.indirect.gather @!p0 [hbm4b:s2+s31], $0x80, s25, s31, $0xb8;
	[tilespmem:$0x1B800] =	vst v63  }
0x36: {  	_ =	swait.ge [sflag:s17], $0x6400  }
0x37: {  	[sflag:s17] =	ssyncset.done $0x0  }
0x38: {  	[sflag:s17] =	ssyncadd.s32 $0xFFFF9C00  }
0x39: {  	_ =	swait.ge [sflag:s18], $0x6400  }
0x3a: {  	[sflag:s18] =	ssyncset.done $0x0  }
0x3b: {  	[sflag:s18] =	ssyncadd.s32 $0xFFFF9C00  }
0x3c: {  	_ =	swait.ge [sflag:s19], $0x6400  }
0x3d: {  	[sflag:s19] =	ssyncset.done $0x0  }
0x3e: {  	[sflag:s19] =	ssyncadd.s32 $0xFFFF9C00  }
0x3f: {  	_ =	swait.ge [sflag:s20], $0x6400  }
0x40: {  	[sflag:s20] =	ssyncset.done $0x0  }
0x41: {  	[sflag:s20] =	ssyncadd.s32 $0xFFFF9C00  }
0x42: {  	[tilespmem:s12], [sflag:$0x1] =	stream.indirect.gather [hbm4b:s2+s11], $0x80, s10, s11, $0xb8;
	[tilespmem:$0x1B800] =	vst v63  }
0x43: {  	s24 =	simm.s32 $0x0  }
0x44: {  	[tilespmem:s13], [sflag:$0x2] =	stream.indirect.gather [hbm4b:s2+s11], $0x80, s21, s11, $0xb8;
	[tilespmem:$0x1B800] =	vst v63  }
0x45: {  	s25 =	simm.s32 $0x1658;
	s0 =	sand.u32 $0x3, s24  }
0x46: {  	[tilespmem:s15], [sflag:$0x3] =	stream.indirect.gather [hbm4b:s2+s11], $0x80, s22, s11, $0xb8;
	[tilespmem:$0x1B800] =	vst v63  }
0x47: {  	p0 =	por $0x1, $0x1;
	s26 =	sadd.s32 $0x1, s0;
	s28 =	smul.u32 $0x19000, s0  }
0x48: {  	[tilespmem:s16], [sflag:$0x4] =	stream.indirect.gather [hbm4b:s2+s11], $0x80, s25, s11, $0xb8;
	[tilespmem:$0x1B800] =	vst v63  }
0x49: {  	s29 =	simm.s32 @!p0 $0x3;
	_ =	swait.ge [sflag:s26], $0x6400  }
0x4a: {  	s29 =	sand.u32 @!p0 $0x3, s29;
	s28 =	sshrl.u32 s28, $0x2;
	[sflag:s26] =	ssyncset.done $0x0  }
0x4b: {  	s0 =	sadd.s32 $0x5, s0;
	[sflag:s26] =	ssyncadd.s32 $0xFFFF9C00;
	s26 =	sadd.s32 $0x2800, s28  }
0x4c: {  	[hbm4b:s8+s3] =	stream.linear.scatter [tilespmem:s26], [sflag:s0], $0x6400, $0x38;
	[tilespmem:$0x1B800] =	vst v63  }
0x4d: {  	s28 =	smul.u32 @!p0 $0x19000, s29;
	s0 =	sadd.s32 @!p0 $0x5, s29  }
0x4e: {  	s31 =	simm.s32 @!p0 $0xC8;
	s29 =	sadd.s32 @!p0 $0x1, s29;
	_ =	swait.ge @!p0 [sflag:s0], $0x6400  }
0x4f: {  	s26 =	sadd.s32 $0xC80, s8;
	s30 =	sshrl.u32 @!p0 s28, $0x2;
	[sflag:s0] =	ssyncset.done @!p0 $0x0  }
0x50: {  	s28 =	simm.s32 $0x1720;
	s30 =	sadd.s32 @!p0 $0x2800, s30;
	[sflag:s0] =	ssyncadd.s32 @!p0 $0xFFFF9C00  }
.LBB2_4:
0x51: {  	[tilespmem:s30], [sflag:s29] =	stream.indirect.gather @!p0 [hbm4b:s2+s31], $0x80, s25, s31, $0xb8;
	[tilespmem:$0x1B800] =	vst v63  }
0x52: {  	s0 =	smov.u32 s24;
	s24 =	sadd.s32 $0x1, s24;
	s25 =	smov.u32 s28  }
0x53: {  	s29 =	sand.u32 $0x3, s24;
	p1 =	sne.s32 s24, $0x18  }
0x54: {  	p0 =	sgt.u32 s0, $0x14;
	s30 =	sadd.s32 $0x1, s29;
	s31 =	smul.u32 $0x19000, s29  }
0x55: {  	s0 =	sadd.s32 @!p0 $0x4, s0;
	_ =	swait.ge [sflag:s30], $0x6400  }
0x56: {  	s0 =	sand.u32 @!p0 $0x3, s0;
	s31 =	sshrl.u32 s31, $0x2;
	[sflag:s30] =	ssyncset.done $0x0  }
0x57: {  	s29 =	sadd.s32 $0x5, s29;
	[sflag:s30] =	ssyncadd.s32 $0xFFFF9C00;
	s30 =	sadd.s32 $0x2800, s31  }
0x58: {  	[hbm4b:s26+s3] =	stream.linear.scatter [tilespmem:s30], [sflag:s29], $0x6400, $0x38;
	[tilespmem:$0x1B800] =	vst v63  }
.Ltmp1:
0x59: {  	_ = 	snop;
	(pc) =	sbr.rel @p1 .LBB2_4-.Ltmp1, $4  }
0x5a: {  	s31 =	smul.u32 @!p0 $0x19000, s0;
	s30 =	sadd.s32 @!p0 $0x5, s0;
	s29 =	sadd.s32 @!p0 $0x1, s0  }
0x5b: {  	s26 =	sadd.s32 $0xC80, s26;
	_ =	swait.ge @!p0 [sflag:s30], $0x6400  }
0x5c: {  	s28 =	sadd.s32 $0xC8, s28;
	s0 =	sshrl.u32 @!p0 s31, $0x2;
	[sflag:s30] =	ssyncset.done @!p0 $0x0  }
0x5d: {  	s31 =	simm.s32 @!p0 $0xC8;
	[sflag:s30] =	ssyncadd.s32 @!p0 $0xFFFF9C00;
	s30 =	sadd.s32 @!p0 $0x2800, s0  }
0x5e: {  	[tilespmem:s30], [sflag:s29] =	stream.indirect.gather @!p0 [hbm4b:s2+s31], $0x80, s25, s31, $0xb8;
	[tilespmem:$0x1B800] =	vst v63  }
0x5f: {  	_ =	swait.ge [sflag:s17], $0x6400  }
0x60: {  	[sflag:s17] =	ssyncset.done $0x0  }
0x61: {  	[sflag:s17] =	ssyncadd.s32 $0xFFFF9C00  }
0x62: {  	_ =	swait.ge [sflag:s18], $0x6400  }
0x63: {  	[sflag:s18] =	ssyncset.done $0x0  }
0x64: {  	s23 =	sadd.s32 $0x1, s23;
	[sflag:s18] =	ssyncadd.s32 $0xFFFF9C00  }
0x65: {  	p0 =	sne.s32 s23, s6;
	_ =	swait.ge [sflag:s19], $0x6400  }
.Ltmp2:
0x66: {  	[sflag:s19] =	ssyncset.done $0x0;
	(pc) =	sbr.rel @p0 .LBB2_1-.Ltmp2, $4  }
0x67: {  	[sflag:s19] =	ssyncadd.s32 $0xFFFF9C00  }
0x68: {  	_ =	swait.ge [sflag:s20], $0x6400  }
0x69: {  	[sflag:s20] =	ssyncset.done $0x0  }
0x6a: {  	[sflag:s20] =	ssyncadd.s32 $0xFFFF9C00  }
0x6b: {  	_ =	sfence.sel $0x180000  }
0x6c: {  	[bflag:$0x0] =	sbarrier.arrive $0xFFFF  }
0x6d: {  	_ =	strace $0x90000047  }
0x6e: {  	[bflag:$0x2] =	sbarrier.arrive $0xFFFF  }
0x6f: {  	p0 =	sne.s32 s1, $0x0;
	s0 =	rddreg [dreg:$0x4]  }
0x70: {  	s0 =	sadd.s32 @!p0 $0x100000, s0  }
0x71: {  	[sflag:s0] =	ssyncadd.tile.s32 @!p0 $0x1;
	_ =	shalt  }
.Lfunc_end2:
_tile_overlayer_lowered:
.L_overlay_start_2:
0x72: {  	(tag) =	ssettag $0x2  }
0x73: {  	s0 =	rddreg [dreg:$0x0];
	s2 =	stileid.u32  }
0x74: {  	s1 =	rddreg [dreg:$0x1];
	p0 =	sne.s32 s2, $0x0  }
0x75: {  	s3 =	rddreg [dreg:$0x2];
	[bflag:$0x3] =	sbarrier.arrive $0xFFFF;
	s2 =	simm.s32 @!p0 $0x1C09  }
0x76: {  	[timem:s3], [sflag:s2] =	dma.local @!p0 [hbm:s0], s1  }
0x77: {  	s0 =	simm.s32 @!p0 $0x9  }
0x78: {  	_ =	swait.ge @!p0 [sflag:s0], s1  }
0x79: {  	s1 =	ssub.s32 @!p0 $0x0, s1;
	[sflag:s0] =	ssyncset.done @!p0 $0x0  }
0x7a: {  	[sflag:s0] =	ssyncadd.s32 @!p0 s1  }
0x7b: {  	[bflag:$0x3] =	sbarrier.arrive $0xFFFF  }
0x7c: {  	_ =	shalt  }

</sc_bundles>
